<compile_context>
chip_gen: v7x
topology: tpu7x:2x2x1
jax: 0.10.2.dev20260603
libtpu: 0.0.44.dev20260713+nightly
codegen_flags: <defaults>
</compile_context>

<pallas_src>
import jax
import jax.numpy as jnp
from jax import lax
from jax.experimental import pallas as pl
from jax.experimental.pallas import tpu as pltpu
from jax.experimental.pallas import tpu_sc as plsc

_GDN = lax.GatherDimensionNumbers(
    offset_dims=(), collapsed_slice_dims=(0,), start_index_map=(0,))


def _vgather(v, idx):
    return lax.gather(v, idx[:, None], _GDN, (1,),
                      mode=lax.GatherScatterMode.PROMISE_IN_BOUNDS)


_N = 10000
_E = 320000
_D = 128
_H = 8
_DH = 16

_NTILES = 32
_EPT = _E // _NTILES
_CH = 80
_NCH = _EPT // _CH
_GR = _CH // 16
_NPAD = 10240
_NPT = _NPAD // 16


def _ln(x, g, b):
    mu = jnp.mean(x, axis=-1, keepdims=True)
    var = jnp.mean((x - mu) * (x - mu), axis=-1, keepdims=True)
    return (x - mu) / jnp.sqrt(var + 1e-5) * g + b


def _qkv_body(x_ref, wq_ref, bq_ref, wk_ref, bk_ref, wv_ref, bv_ref,
              g1_ref, b1_ref, q_ref, kv_ref):
    hn = _ln(x_ref[...], g1_ref[...], b1_ref[...])
    dn = (((1,), (1,)), ((), ()))
    q = lax.dot_general(hn, wq_ref[...], dn,
                        preferred_element_type=jnp.float32) + bq_ref[...]
    k = lax.dot_general(hn, wk_ref[...], dn,
                        preferred_element_type=jnp.float32) + bk_ref[...]
    v = lax.dot_general(hn, wv_ref[...], dn,
                        preferred_element_type=jnp.float32) + bv_ref[...]
    q_ref[...] = q * 0.25
    kv_ref[...] = jnp.concatenate([k, v], axis=1)


def _qkv(x, Wq, bq, Wk, bk, Wv, bv, g1, b1):
    blk = 400
    grid = _N // blk
    full = lambda s: pl.BlockSpec(s, lambda i: (0, 0))
    return pl.pallas_call(
        _qkv_body,
        grid=(grid,),
        in_specs=[
            pl.BlockSpec((blk, _D), lambda i: (i, 0)),
            full((_D, _D)), full((1, _D)),
            full((_D, _D)), full((1, _D)),
            full((_D, _D)), full((1, _D)),
            full((1, _D)), full((1, _D)),
        ],
        out_specs=[
            pl.BlockSpec((blk, _D), lambda i: (i, 0)),
            pl.BlockSpec((blk, 2 * _D), lambda i: (i, 0)),
        ],
        out_shape=[
            jax.ShapeDtypeStruct((_N, _D), jnp.float32),
            jax.ShapeDtypeStruct((_N, 2 * _D), jnp.float32),
        ],
    )(x, Wq, bq.reshape(1, _D), Wk, bk.reshape(1, _D),
      Wv, bv.reshape(1, _D), g1.reshape(1, _D), b1.reshape(1, _D))


def _ebias_body(ea_ref, we_ref, be_ref, src_ref, dst_ref, out_ref):
    dn = (((1,), (1,)), ((), ()))
    eb = lax.dot_general(ea_ref[...], we_ref[...], dn,
                         preferred_element_type=jnp.float32) + be_ref[...]
    srcf = lax.bitcast_convert_type(src_ref[...], jnp.float32)
    dstf = lax.bitcast_convert_type(dst_ref[...], jnp.float32)
    blk = eb.shape[0]
    out_ref[...] = jnp.concatenate(
        [eb, srcf, dstf, jnp.zeros((blk, 6), jnp.float32)], axis=1)


def _ebias(edge_attr, We, be, src, dst):
    blk = 2000
    grid = _E // blk
    return pl.pallas_call(
        _ebias_body,
        grid=(grid,),
        in_specs=[
            pl.BlockSpec((blk, _D), lambda i: (i, 0)),
            pl.BlockSpec((_H, _D), lambda i: (0, 0)),
            pl.BlockSpec((1, _H), lambda i: (0, 0)),
            pl.BlockSpec((blk, 1), lambda i: (i, 0)),
            pl.BlockSpec((blk, 1), lambda i: (i, 0)),
        ],
        out_specs=pl.BlockSpec((blk, 2 * _H), lambda i: (i, 0)),
        out_shape=jax.ShapeDtypeStruct((_E, 2 * _H), jnp.float32),
    )(edge_attr, We, be.reshape(1, _H), src.reshape(_E, 1), dst.reshape(_E, 1))


def _edge_body(q_hbm, kv_hbm, eb_hbm,
               acc_hbm, den_hbm,
               kvbuf, qbuf, msgbuf, srcbuf, dstbuf, ebuf, exbuf, aug, den_sp,
               sem1, sem2, sem3):
    c = lax.axis_index("c")
    s = lax.axis_index("s")
    wid = c * 16 + s
    ebase = wid * _EPT
    nbase = s * _NPT
    zero16 = jnp.zeros((16,), jnp.float32)
    lane = lax.iota(jnp.int32, 16)

    def _zrow(i, carry):
        for j in range(_D // 16):
            msgbuf[i, pl.ds(j * 16, 16)] = zero16
        return carry
    lax.fori_loop(0, _CH, _zrow, 0)
    for j in range(_NPT // _CH):
        pltpu.sync_copy(msgbuf, aug.at[pl.ds(nbase + j * _CH, _CH)])
    pltpu.sync_copy(msgbuf.at[pl.ds(0, _NPAD // 16 // 16)],
                    den_sp.at[pl.ds(s * (_NPAD // 16 // 16), _NPAD // 16 // 16)])
    plsc.subcore_barrier()
    pltpu.async_copy(eb_hbm.at[pl.ds(ebase * 16, _CH * 16)], ebuf, sem3)

    def _chunk(ci, carry):
        base = ebase + ci * _CH
        pltpu.make_async_copy(eb_hbm.at[pl.ds(base * 16, _CH * 16)],
                              ebuf, sem3).wait()

        @plsc.parallel_loop(0, _GR, 1)
        def _unpack(g):
            e_idx = g * 16 + lane
            sv = plsc.bitcast(plsc.load_gather(ebuf, [e_idx * 16 + _H]),
                              jnp.int32)
            dv = plsc.bitcast(plsc.load_gather(ebuf, [e_idx * 16 + _H + 1]),
                              jnp.int32)
            srcbuf[pl.ds(g * 16, 16)] = sv
            dstbuf[pl.ds(g * 16, 16)] = dv

        kvd = pltpu.async_copy(kv_hbm.at[srcbuf], kvbuf, sem1)
        qd = pltpu.async_copy(q_hbm.at[dstbuf], qbuf, sem2)
        kvd.wait()
        qd.wait()

        @plsc.parallel_loop(0, _GR, 1)
        def _gsrc(g):
            dv = dstbuf[pl.ds(g * 16, 16)]
            srcbuf[pl.ds(g * 16, 16)] = lax.shift_right_logical(dv, 4)

        @plsc.parallel_loop(0, _CH, 1)
        def _ga(i):
            eb_row = ebuf[pl.ds(i * 16, 16)]
            sums = jnp.zeros((16,), jnp.float32)
            for h in range(_H):
                kvh = kvbuf[i, pl.ds(h * _DH, _DH)]
                qh = qbuf[i, pl.ds(h * _DH, _DH)]
                cs = plsc.cumsum(kvh * qh)
                sums = sums + jnp.where(lane == h,
                                        jnp.full((16,), cs[15], jnp.float32),
                                        0.0)
            exv = jnp.exp(sums + eb_row)
            for h in range(_H):
                exb = jnp.full((16,), exv[h], jnp.float32)
                vh = kvbuf[i, pl.ds(_D + h * _DH, _DH)]
                msgbuf[i, pl.ds(h * _DH, _DH)] = vh * exb
            exbuf[pl.ds(i * 16, 16)] = exv
        nb = jnp.minimum(base + _CH, _E - _CH) * 16
        pltpu.async_copy(eb_hbm.at[pl.ds(nb, _CH * 16)], ebuf, sem3)
        pltpu.sync_copy(msgbuf, aug.at[dstbuf], add=True)

        @plsc.parallel_loop(0, _CH, 1)
        def _gc(i):
            g = lax.shift_right_logical(i, 4)
            j = i & 15
            dvec = dstbuf[pl.ds(g * 16, 16)]
            dstb = _vgather(dvec, jnp.full((16,), j, jnp.int32))
            rvec = (dstb & 1) * 8
            slot = (lax.shift_right_logical(dstb[0], 1) & 7) * 16
            exv = exbuf[pl.ds(i * 16, 16)]
            idxs = (lane - rvec) & 15
            denv = jnp.where((lane >= rvec) & (lane < rvec + 8),
                             _vgather(exv, idxs), 0.0)
            for sj in range(8):
                msgbuf[i, pl.ds(sj * 16, 16)] = zero16
            msgbuf[i, pl.ds(slot, 16)] = denv
        pltpu.sync_copy(msgbuf, den_sp.at[srcbuf], add=True)
        return carry
    lax.fori_loop(0, _NCH, _chunk, 0)
    pltpu.make_async_copy(eb_hbm.at[pl.ds(0, _CH * 16)], ebuf, sem3).wait()

    plsc.subcore_barrier()
    pltpu.sync_copy(aug.at[pl.ds(nbase, _NPT)],
                    acc_hbm.at[c, pl.ds(nbase, _NPT)])
    nd = _NPAD // 16 // 16
    pltpu.sync_copy(den_sp.at[pl.ds(s * nd, nd)],
                    den_hbm.at[c, pl.ds(s * nd, nd)])


def _edge_pass(q, kv, ebias):
    mesh = plsc.VectorSubcoreMesh(core_axis_name="c", subcore_axis_name="s")
    f = pl.kernel(
        _edge_body,
        out_type=[
            jax.ShapeDtypeStruct((2, _NPAD, _D), jnp.float32),
            jax.ShapeDtypeStruct((2, _NPAD // 16, _D), jnp.float32),
        ],
        mesh=mesh,
        scratch_types=[
            pltpu.VMEM((_CH, 2 * _D), jnp.float32),
            pltpu.VMEM((_CH, _D), jnp.float32),
            pltpu.VMEM((_CH, _D), jnp.float32),
            pltpu.VMEM((_CH,), jnp.int32),
            pltpu.VMEM((_CH,), jnp.int32),
            pltpu.VMEM((_CH * 16,), jnp.float32),
            pltpu.VMEM((_CH * 16,), jnp.float32),
            pltpu.VMEM_SHARED((_NPAD, _D), jnp.float32),
            pltpu.VMEM_SHARED((_NPAD // 16, _D), jnp.float32),
            pltpu.SemaphoreType.DMA,
            pltpu.SemaphoreType.DMA,
            pltpu.SemaphoreType.DMA,
        ],
        compiler_params=pltpu.CompilerParams(needs_layout_passes=False),
    )
    return f(q, kv, ebias)


def _comb_body(acc_ref, den_ref, x_ref, wo_ref, bo_ref, g2_ref, b2_ref,
               w1_ref, bf1_ref, w2_ref, bf2_ref, y_ref):
    acc = acc_ref[0] + acc_ref[1]
    den = den_ref[0] + den_ref[1]
    li = lax.broadcasted_iota(jnp.int32, (_H, _D), 1) // _DH
    hi = lax.broadcasted_iota(jnp.int32, (_H, _D), 0)
    rep = (li == hi).astype(jnp.float32)
    dn = (((1,), (0,)), ((), ()))
    den_r = lax.dot_general(den, rep, dn, preferred_element_type=jnp.float32)
    out = acc / (den_r + 1e-16)
    dt = (((1,), (1,)), ((), ()))
    attn = lax.dot_general(out, wo_ref[...], dt,
                           preferred_element_type=jnp.float32) + bo_ref[...]
    h = x_ref[...] + attn
    hn2 = _ln(h, g2_ref[...], b2_ref[...])
    f1 = lax.dot_general(hn2, w1_ref[...], dt,
                         preferred_element_type=jnp.float32) + bf1_ref[...]
    f1 = jnp.maximum(f1, 0.0)
    ffn = lax.dot_general(f1, w2_ref[...], dt,
                          preferred_element_type=jnp.float32) + bf2_ref[...]
    y_ref[...] = h + ffn


def _combine(acc, den, x, Wo, bo, g2, b2, W1, bf1, W2, bf2):
    blk = 400
    grid = _N // blk
    full = lambda s: pl.BlockSpec(s, lambda i: tuple(0 for _ in s))
    return pl.pallas_call(
        _comb_body,
        grid=(grid,),
        in_specs=[
            pl.BlockSpec((2, blk, _D), lambda i: (0, i, 0)),
            pl.BlockSpec((2, blk, _H), lambda i: (0, i, 0)),
            pl.BlockSpec((blk, _D), lambda i: (i, 0)),
            full((_D, _D)), full((1, _D)),
            full((1, _D)), full((1, _D)),
            full((2 * _D, _D)), full((1, 2 * _D)),
            full((_D, 2 * _D)), full((1, _D)),
        ],
        out_specs=pl.BlockSpec((blk, _D), lambda i: (i, 0)),
        out_shape=jax.ShapeDtypeStruct((_N, _D), jnp.float32),
    )(acc, den, x, Wo, bo.reshape(1, _D), g2.reshape(1, _D), b2.reshape(1, _D),
      W1, bf1.reshape(1, 2 * _D), W2, bf2.reshape(1, _D))


def kernel(x, edge_index, edge_attr, Wq, bq, Wk, bk, Wv, bv, We, be,
           Wo, bo, g1, b1, g2, b2, W1, bf1, W2, bf2):
    src = edge_index[0]
    dst = edge_index[1]
    q, kv = _qkv(x, Wq, bq, Wk, bk, Wv, bv, g1, b1)
    ebias = _ebias(edge_attr, We, be, src, dst).reshape(-1)
    acc, den = _edge_pass(q, kv, ebias)
    den = den.reshape(2, _NPAD, _H)
    return _combine(acc, den, x, Wo, bo, g2, b2, W1, bf1, W2, bf2)

# --- scband reference (transcript-rebuilt; emitter-appended) ---
"""Pipeline reference for scband-h2-gformer-layer-62654982914250 (READ-ONLY COPY).

The authoritative reference and input builder live on the scoring server;
editing this copy changes nothing except your own understanding.
"""

import jax, jax.numpy as jnp
import numpy as np

N = 10000
E = 320000
D = 128
H = 8
DH = D // H


def _layernorm(x, g, b):
    mu = jnp.mean(x, axis=-1, keepdims=True)
    var = jnp.var(x, axis=-1, keepdims=True)
    return (x - mu) / jnp.sqrt(var + 1e-5) * g + b


def setup_inputs(seed: int = 0) -> dict:
    key = jax.random.key(seed)
    ks = jax.random.split(key, 32)

    def lin_w(k, din, dout):
        return (jax.random.normal(k, (dout, din), dtype=jnp.float32) / np.sqrt(din)).astype(jnp.float32)

    inp = {}
    inp['x'] = jax.random.normal(ks[0], (N, D), dtype=jnp.float32)
    inp['edge_index'] = jax.random.randint(ks[1], (2, E), 0, N, dtype=jnp.int32)
    inp['edge_attr'] = jax.random.normal(ks[2], (E, D), dtype=jnp.float32)
    # SparseMultiHeadAttentionConv params
    inp['Wq'] = lin_w(ks[3], D, D); inp['bq'] = jnp.zeros((D,), jnp.float32)
    inp['Wk'] = lin_w(ks[4], D, D); inp['bk'] = jnp.zeros((D,), jnp.float32)
    inp['Wv'] = lin_w(ks[5], D, D); inp['bv'] = jnp.zeros((D,), jnp.float32)
    inp['We'] = lin_w(ks[6], D, H); inp['be'] = jnp.zeros((H,), jnp.float32)
    inp['Wo'] = lin_w(ks[7], D, D); inp['bo'] = jnp.zeros((D,), jnp.float32)
    # LayerNorms
    inp['g1'] = jnp.ones((D,), jnp.float32); inp['b1'] = jnp.zeros((D,), jnp.float32)
    inp['g2'] = jnp.ones((D,), jnp.float32); inp['b2'] = jnp.zeros((D,), jnp.float32)
    # FFN
    inp['W1'] = lin_w(ks[8], D, 2 * D); inp['bf1'] = jnp.zeros((2 * D,), jnp.float32)
    inp['W2'] = lin_w(ks[9], 2 * D, D); inp['bf2'] = jnp.zeros((D,), jnp.float32)
    return inp


def reference(x, edge_index, edge_attr, Wq, bq, Wk, bk, Wv, bv, We, be, Wo, bo, g1, b1, g2, b2, W1, bf1, W2, bf2):
    src = edge_index[0]
    dst = edge_index[1]
    # Pre-norm
    hn = _layernorm(x, g1, b1)
    # Sparse multi-head attention (single ntype/etype, num_hops=1, dropout=0)
    q = (hn @ Wq.T + bq).reshape(N, H, DH)
    k = (hn @ Wk.T + bk).reshape(N, H, DH)
    v = (hn @ Wv.T + bv).reshape(N, H, DH)
    scale = DH ** (-0.5)
    score = jnp.sum(k[src] * q[dst], axis=-1)  # u_dot_v -> [E, H]
    e_bias = edge_attr @ We.T + be  # [E, H]
    score = score * scale + e_bias
    # edge_softmax over incoming edges of each dst node
    smax = jax.ops.segment_max(score, dst, num_segments=N)
    smax = jnp.where(jnp.isfinite(smax), smax, 0.0)
    smax = jax.lax.stop_gradient(smax)
    ex = jnp.exp(score - smax[dst])
    denom = jax.ops.segment_sum(ex, dst, num_segments=N)
    a = ex / (denom[dst] + 1e-16)
    # u_mul_e + sum aggregation
    msg = v[src] * a[:, :, None]  # [E, H, DH]
    out = jax.ops.segment_sum(msg, dst, num_segments=N).reshape(N, D)
    attn = out @ Wo.T + bo
    # residual
    h = x + attn
    # Pre-norm + FFN + residual
    hn2 = _layernorm(h, g2, b2)
    ffn = jax.nn.relu(hn2 @ W1.T + bf1) @ W2.T + bf2
    return h + ffn

if __name__ == "__main__":
    import jax
    _d = setup_inputs()
    print(jax.jit(kernel)(*tuple(_d.values())))

</pallas_src>

<mosaic_0001>
#map = affine_map<(d0, d1) -> (0, 0)>
#map1 = affine_map<(d0, d1) -> (0)>
#map2 = affine_map<(d0, d1) -> (0, 0, 0)>
module attributes {stable_mosaic.version = 14 : i64} {
  func.func @_edge_body(%arg0: i32, %arg1: i32, %arg2: memref<10000x128xf32, #tpu.memory_space<hbm>>, %arg3: memref<10000x256xf32, #tpu.memory_space<hbm>>, %arg4: memref<5120000xf32, #tpu.memory_space<hbm>>, %arg5: memref<2x10240x128xf32, #tpu.memory_space<hbm>>, %arg6: memref<2x640x128xf32, #tpu.memory_space<hbm>>, %arg7: memref<80x256xf32, #tpu.memory_space<vmem>>, %arg8: memref<80x128xf32, #tpu.memory_space<vmem>>, %arg9: memref<80x128xf32, #tpu.memory_space<vmem>>, %arg10: memref<80xi32, #tpu.memory_space<vmem>>, %arg11: memref<80xi32, #tpu.memory_space<vmem>>, %arg12: memref<1280xf32, #tpu.memory_space<vmem>>, %arg13: memref<1280xf32, #tpu.memory_space<vmem>>, %arg14: memref<10240x128xf32, #tpu.memory_space<vmem_shared>>, %arg15: memref<640x128xf32, #tpu.memory_space<vmem_shared>>, %arg16: memref<!tpu.dma_semaphore, #tpu.memory_space<semaphore_mem>>, %arg17: memref<!tpu.dma_semaphore, #tpu.memory_space<semaphore_mem>>, %arg18: memref<!tpu.dma_semaphore, #tpu.memory_space<semaphore_mem>>) attributes {dimension_semantics = [#tpu.dimension_semantics<core_parallel>, #tpu.dimension_semantics<subcore_parallel>], iteration_bounds = array<i64: 2, 16>, scalar_prefetch = 0 : i64, scratch_operands = 12 : i64, tpu.core_type = #tpu.core_type<sc_vector_subcore>, window_params = [{transform_indices = #map}, {transform_indices = #map}, {transform_indices = #map1}, {transform_indices = #map2}, {transform_indices = #map2}]} {
    %mul3A = arith.constant 16 : i32
    %mul3A_0 = arith.muli %arg0, %mul3A : i32
    %add3A = arith.addi %mul3A_0, %arg1 : i32
    %mul3A_1 = arith.constant 10000 : i32
    %mul3A_2 = arith.muli %add3A, %mul3A_1 : i32
    %mul3A_3 = arith.constant 640 : i32
    %mul3A_4 = arith.muli %arg1, %mul3A_3 : i32
    %broadcast_in_dim3A = arith.constant 0.000000e+00 : f32
    %broadcast_in_dim3A_5 = vector.broadcast %broadcast_in_dim3A : f32 to vector<16xf32>
    %iota3A = tpu.iota {dimensions = array<i32: 0>} : vector<16xi32>
    %scan3A = arith.constant 0 : i32
    %scan3A_6 = arith.constant 0 : i32
    %scan3A_7 = arith.constant 80 : i32
    %scan3A_8 = arith.addi %scan3A_6, %scan3A_7 : i32
    %scan3A_9 = arith.constant 1 : i32
    scf.for %scan3A_46 = %scan3A_6 to %scan3A_8 step %scan3A_9  : i32 {
      %swap3A = arith.index_cast %scan3A_46 : i32 to index
      %swap3A_47 = arith.constant 0 : index
      %swap3A_48 = tpu.vector_load %arg9[%swap3A, %swap3A_47] {strides = array<i32>} : memref<80x128xf32, #tpu.memory_space<vmem>>, vector<16xf32>,
      tpu.vector_store %arg9[%swap3A, %swap3A_47], %broadcast_in_dim3A_5 {strides = array<i32>} : memref<80x128xf32, #tpu.memory_space<vmem>>, vector<16xf32>,
      %swap3A_49 = arith.index_cast %scan3A_46 : i32 to index
      %swap3A_50 = arith.constant 16 : index
      %swap3A_51 = tpu.vector_load %arg9[%swap3A_49, %swap3A_50] {strides = array<i32>} : memref<80x128xf32, #tpu.memory_space<vmem>>, vector<16xf32>,
      tpu.vector_store %arg9[%swap3A_49, %swap3A_50], %broadcast_in_dim3A_5 {strides = array<i32>} : memref<80x128xf32, #tpu.memory_space<vmem>>, vector<16xf32>,
      %swap3A_52 = arith.index_cast %scan3A_46 : i32 to index
      %swap3A_53 = arith.constant 32 : index
      %swap3A_54 = tpu.vector_load %arg9[%swap3A_52, %swap3A_53] {strides = array<i32>} : memref<80x128xf32, #tpu.memory_space<vmem>>, vector<16xf32>,
      tpu.vector_store %arg9[%swap3A_52, %swap3A_53], %broadcast_in_dim3A_5 {strides = array<i32>} : memref<80x128xf32, #tpu.memory_space<vmem>>, vector<16xf32>,
      %swap3A_55 = arith.index_cast %scan3A_46 : i32 to index
      %swap3A_56 = arith.constant 48 : index
      %swap3A_57 = tpu.vector_load %arg9[%swap3A_55, %swap3A_56] {strides = array<i32>} : memref<80x128xf32, #tpu.memory_space<vmem>>, vector<16xf32>,
      tpu.vector_store %arg9[%swap3A_55, %swap3A_56], %broadcast_in_dim3A_5 {strides = array<i32>} : memref<80x128xf32, #tpu.memory_space<vmem>>, vector<16xf32>,
      %swap3A_58 = arith.index_cast %scan3A_46 : i32 to index
      %swap3A_59 = arith.constant 64 : index
      %swap3A_60 = tpu.vector_load %arg9[%swap3A_58, %swap3A_59] {strides = array<i32>} : memref<80x128xf32, #tpu.memory_space<vmem>>, vector<16xf32>,
      tpu.vector_store %arg9[%swap3A_58, %swap3A_59], %broadcast_in_dim3A_5 {strides = array<i32>} : memref<80x128xf32, #tpu.memory_space<vmem>>, vector<16xf32>,
      %swap3A_61 = arith.index_cast %scan3A_46 : i32 to index
      %swap3A_62 = arith.constant 80 : index
      %swap3A_63 = tpu.vector_load %arg9[%swap3A_61, %swap3A_62] {strides = array<i32>} : memref<80x128xf32, #tpu.memory_space<vmem>>, vector<16xf32>,
      tpu.vector_store %arg9[%swap3A_61, %swap3A_62], %broadcast_in_dim3A_5 {strides = array<i32>} : memref<80x128xf32, #tpu.memory_space<vmem>>, vector<16xf32>,
      %swap3A_64 = arith.index_cast %scan3A_46 : i32 to index
      %swap3A_65 = arith.constant 96 : index
      %swap3A_66 = tpu.vector_load %arg9[%swap3A_64, %swap3A_65] {strides = array<i32>} : memref<80x128xf32, #tpu.memory_space<vmem>>, vector<16xf32>,
      tpu.vector_store %arg9[%swap3A_64, %swap3A_65], %broadcast_in_dim3A_5 {strides = array<i32>} : memref<80x128xf32, #tpu.memory_space<vmem>>, vector<16xf32>,
      %swap3A_67 = arith.index_cast %scan3A_46 : i32 to index
      %swap3A_68 = arith.constant 112 : index
      %swap3A_69 = tpu.vector_load %arg9[%swap3A_67, %swap3A_68] {strides = array<i32>} : memref<80x128xf32, #tpu.memory_space<vmem>>, vector<16xf32>,
      tpu.vector_store %arg9[%swap3A_67, %swap3A_68], %broadcast_in_dim3A_5 {strides = array<i32>} : memref<80x128xf32, #tpu.memory_space<vmem>>, vector<16xf32>,
    }
    %scan3A_10 = arith.constant 80 : i32
    %add3A_11 = arith.constant 0 : i32
    %add3A_12 = arith.addi %mul3A_4, %add3A_11 : i32
    "tpu.region"() ({
      %run_scoped3A = tpu.sem_alloc : memref<!tpu.dma_semaphore, #tpu.memory_space<semaphore_mem>>
      %dma_start3A_46 = arith.constant 0 : i32
      %dma_start3A_47 = tpu.memref_slice %arg14[%add3A_12, %dma_start3A_46] : memref<10240x128xf32, #tpu.memory_space<vmem_shared>> -> memref<80x128xf32, #tpu.memory_space<vmem_shared>>
      %dma_start3A_48 = arith.constant 0 : i32
      %dma_start3A_49 = tpu.memref_slice %arg14[%add3A_12, %dma_start3A_48] : memref<10240x128xf32, #tpu.memory_space<vmem_shared>> -> memref<80x128xf32, #tpu.memory_space<vmem_shared>>
      tpu.enqueue_dma source(%arg9 : memref<80x128xf32, #tpu.memory_space<vmem>>) target(%dma_start3A_49 : memref<80x128xf32, #tpu.memory_space<vmem_shared>>) target_semaphore(%run_scoped3A : memref<!tpu.dma_semaphore, #tpu.memory_space<semaphore_mem>>)
      %dma_wait3A_50 = arith.constant 0 : i32
      %dma_wait3A_51 = tpu.memref_slice %arg14[%add3A_12, %dma_wait3A_50] : memref<10240x128xf32, #tpu.memory_space<vmem_shared>> -> memref<80x128xf32, #tpu.memory_space<vmem_shared>>
      %dma_wait3A_52 = arith.constant 0 : i32
      %dma_wait3A_53 = tpu.memref_slice %arg14[%add3A_12, %dma_wait3A_52] : memref<10240x128xf32, #tpu.memory_space<vmem_shared>> -> memref<80x128xf32, #tpu.memory_space<vmem_shared>>
      tpu.wait_dma2 semaphore(%run_scoped3A : memref<!tpu.dma_semaphore, #tpu.memory_space<semaphore_mem>>) src(%arg9 : memref<80x128xf32, #tpu.memory_space<vmem>>) dst(%dma_wait3A_53 : memref<80x128xf32, #tpu.memory_space<vmem_shared>>)
      tpu.yield
    }) : () -> ()
    %add3A_13 = arith.constant 80 : i32
    %add3A_14 = arith.addi %mul3A_4, %add3A_13 : i32
    "tpu.region"() ({
      %run_scoped3A = tpu.sem_alloc : memref<!tpu.dma_semaphore, #tpu.memory_space<semaphore_mem>>
      %dma_start3A_46 = arith.constant 0 : i32
      %dma_start3A_47 = tpu.memref_slice %arg14[%add3A_14, %dma_start3A_46] : memref<10240x128xf32, #tpu.memory_space<vmem_shared>> -> memref<80x128xf32, #tpu.memory_space<vmem_shared>>
      %dma_start3A_48 = arith.constant 0 : i32
      %dma_start3A_49 = tpu.memref_slice %arg14[%add3A_14, %dma_start3A_48] : memref<10240x128xf32, #tpu.memory_space<vmem_shared>> -> memref<80x128xf32, #tpu.memory_space<vmem_shared>>
      tpu.enqueue_dma source(%arg9 : memref<80x128xf32, #tpu.memory_space<vmem>>) target(%dma_start3A_49 : memref<80x128xf32, #tpu.memory_space<vmem_shared>>) target_semaphore(%run_scoped3A : memref<!tpu.dma_semaphore, #tpu.memory_space<semaphore_mem>>)
      %dma_wait3A_50 = arith.constant 0 : i32
      %dma_wait3A_51 = tpu.memref_slice %arg14[%add3A_14, %dma_wait3A_50] : memref<10240x128xf32, #tpu.memory_space<vmem_shared>> -> memref<80x128xf32, #tpu.memory_space<vmem_shared>>
      %dma_wait3A_52 = arith.constant 0 : i32
      %dma_wait3A_53 = tpu.memref_slice %arg14[%add3A_14, %dma_wait3A_52] : memref<10240x128xf32, #tpu.memory_space<vmem_shared>> -> memref<80x128xf32, #tpu.memory_space<vmem_shared>>
      tpu.wait_dma2 semaphore(%run_scoped3A : memref<!tpu.dma_semaphore, #tpu.memory_space<semaphore_mem>>) src(%arg9 : memref<80x128xf32, #tpu.memory_space<vmem>>) dst(%dma_wait3A_53 : memref<80x128xf32, #tpu.memory_space<vmem_shared>>)
      tpu.yield
    }) : () -> ()
    %add3A_15 = arith.constant 160 : i32
    %add3A_16 = arith.addi %mul3A_4, %add3A_15 : i32
    "tpu.region"() ({
      %run_scoped3A = tpu.sem_alloc : memref<!tpu.dma_semaphore, #tpu.memory_space<semaphore_mem>>
      %dma_start3A_46 = arith.constant 0 : i32
      %dma_start3A_47 = tpu.memref_slice %arg14[%add3A_16, %dma_start3A_46] : memref<10240x128xf32, #tpu.memory_space<vmem_shared>> -> memref<80x128xf32, #tpu.memory_space<vmem_shared>>
      %dma_start3A_48 = arith.constant 0 : i32
      %dma_start3A_49 = tpu.memref_slice %arg14[%add3A_16, %dma_start3A_48] : memref<10240x128xf32, #tpu.memory_space<vmem_shared>> -> memref<80x128xf32, #tpu.memory_space<vmem_shared>>
      tpu.enqueue_dma source(%arg9 : memref<80x128xf32, #tpu.memory_space<vmem>>) target(%dma_start3A_49 : memref<80x128xf32, #tpu.memory_space<vmem_shared>>) target_semaphore(%run_scoped3A : memref<!tpu.dma_semaphore, #tpu.memory_space<semaphore_mem>>)
      %dma_wait3A_50 = arith.constant 0 : i32
      %dma_wait3A_51 = tpu.memref_slice %arg14[%add3A_16, %dma_wait3A_50] : memref<10240x128xf32, #tpu.memory_space<vmem_shared>> -> memref<80x128xf32, #tpu.memory_space<vmem_shared>>
      %dma_wait3A_52 = arith.constant 0 : i32
      %dma_wait3A_53 = tpu.memref_slice %arg14[%add3A_16, %dma_wait3A_52] : memref<10240x128xf32, #tpu.memory_space<vmem_shared>> -> memref<80x128xf32, #tpu.memory_space<vmem_shared>>
      tpu.wait_dma2 semaphore(%run_scoped3A : memref<!tpu.dma_semaphore, #tpu.memory_space<semaphore_mem>>) src(%arg9 : memref<80x128xf32, #tpu.memory_space<vmem>>) dst(%dma_wait3A_53 : memref<80x128xf32, #tpu.memory_space<vmem_shared>>)
      tpu.yield
    }) : () -> ()
    %add3A_17 = arith.constant 240 : i32
    %add3A_18 = arith.addi %mul3A_4, %add3A_17 : i32
    "tpu.region"() ({
      %run_scoped3A = tpu.sem_alloc : memref<!tpu.dma_semaphore, #tpu.memory_space<semaphore_mem>>
      %dma_start3A_46 = arith.constant 0 : i32
      %dma_start3A_47 = tpu.memref_slice %arg14[%add3A_18, %dma_start3A_46] : memref<10240x128xf32, #tpu.memory_space<vmem_shared>> -> memref<80x128xf32, #tpu.memory_space<vmem_shared>>
      %dma_start3A_48 = arith.constant 0 : i32
      %dma_start3A_49 = tpu.memref_slice %arg14[%add3A_18, %dma_start3A_48] : memref<10240x128xf32, #tpu.memory_space<vmem_shared>> -> memref<80x128xf32, #tpu.memory_space<vmem_shared>>
      tpu.enqueue_dma source(%arg9 : memref<80x128xf32, #tpu.memory_space<vmem>>) target(%dma_start3A_49 : memref<80x128xf32, #tpu.memory_space<vmem_shared>>) target_semaphore(%run_scoped3A : memref<!tpu.dma_semaphore, #tpu.memory_space<semaphore_mem>>)
      %dma_wait3A_50 = arith.constant 0 : i32
      %dma_wait3A_51 = tpu.memref_slice %arg14[%add3A_18, %dma_wait3A_50] : memref<10240x128xf32, #tpu.memory_space<vmem_shared>> -> memref<80x128xf32, #tpu.memory_space<vmem_shared>>
      %dma_wait3A_52 = arith.constant 0 : i32
      %dma_wait3A_53 = tpu.memref_slice %arg14[%add3A_18, %dma_wait3A_52] : memref<10240x128xf32, #tpu.memory_space<vmem_shared>> -> memref<80x128xf32, #tpu.memory_space<vmem_shared>>
      tpu.wait_dma2 semaphore(%run_scoped3A : memref<!tpu.dma_semaphore, #tpu.memory_space<semaphore_mem>>) src(%arg9 : memref<80x128xf32, #tpu.memory_space<vmem>>) dst(%dma_wait3A_53 : memref<80x128xf32, #tpu.memory_space<vmem_shared>>)
      tpu.yield
    }) : () -> ()
    %add3A_19 = arith.constant 320 : i32
    %add3A_20 = arith.addi %mul3A_4, %add3A_19 : i32
    "tpu.region"() ({
      %run_scoped3A = tpu.sem_alloc : memref<!tpu.dma_semaphore, #tpu.memory_space<semaphore_mem>>
      %dma_start3A_46 = arith.constant 0 : i32
      %dma_start3A_47 = tpu.memref_slice %arg14[%add3A_20, %dma_start3A_46] : memref<10240x128xf32, #tpu.memory_space<vmem_shared>> -> memref<80x128xf32, #tpu.memory_space<vmem_shared>>
      %dma_start3A_48 = arith.constant 0 : i32
      %dma_start3A_49 = tpu.memref_slice %arg14[%add3A_20, %dma_start3A_48] : memref<10240x128xf32, #tpu.memory_space<vmem_shared>> -> memref<80x128xf32, #tpu.memory_space<vmem_shared>>
      tpu.enqueue_dma source(%arg9 : memref<80x128xf32, #tpu.memory_space<vmem>>) target(%dma_start3A_49 : memref<80x128xf32, #tpu.memory_space<vmem_shared>>) target_semaphore(%run_scoped3A : memref<!tpu.dma_semaphore, #tpu.memory_space<semaphore_mem>>)
      %dma_wait3A_50 = arith.constant 0 : i32
      %dma_wait3A_51 = tpu.memref_slice %arg14[%add3A_20, %dma_wait3A_50] : memref<10240x128xf32, #tpu.memory_space<vmem_shared>> -> memref<80x128xf32, #tpu.memory_space<vmem_shared>>
      %dma_wait3A_52 = arith.constant 0 : i32
      %dma_wait3A_53 = tpu.memref_slice %arg14[%add3A_20, %dma_wait3A_52] : memref<10240x128xf32, #tpu.memory_space<vmem_shared>> -> memref<80x128xf32, #tpu.memory_space<vmem_shared>>
      tpu.wait_dma2 semaphore(%run_scoped3A : memref<!tpu.dma_semaphore, #tpu.memory_space<semaphore_mem>>) src(%arg9 : memref<80x128xf32, #tpu.memory_space<vmem>>) dst(%dma_wait3A_53 : memref<80x128xf32, #tpu.memory_space<vmem_shared>>)
      tpu.yield
    }) : () -> ()
    %add3A_21 = arith.constant 400 : i32
    %add3A_22 = arith.addi %mul3A_4, %add3A_21 : i32
    "tpu.region"() ({
      %run_scoped3A = tpu.sem_alloc : memref<!tpu.dma_semaphore, #tpu.memory_space<semaphore_mem>>
      %dma_start3A_46 = arith.constant 0 : i32
      %dma_start3A_47 = tpu.memref_slice %arg14[%add3A_22, %dma_start3A_46] : memref<10240x128xf32, #tpu.memory_space<vmem_shared>> -> memref<80x128xf32, #tpu.memory_space<vmem_shared>>
      %dma_start3A_48 = arith.constant 0 : i32
      %dma_start3A_49 = tpu.memref_slice %arg14[%add3A_22, %dma_start3A_48] : memref<10240x128xf32, #tpu.memory_space<vmem_shared>> -> memref<80x128xf32, #tpu.memory_space<vmem_shared>>
      tpu.enqueue_dma source(%arg9 : memref<80x128xf32, #tpu.memory_space<vmem>>) target(%dma_start3A_49 : memref<80x128xf32, #tpu.memory_space<vmem_shared>>) target_semaphore(%run_scoped3A : memref<!tpu.dma_semaphore, #tpu.memory_space<semaphore_mem>>)
      %dma_wait3A_50 = arith.constant 0 : i32
      %dma_wait3A_51 = tpu.memref_slice %arg14[%add3A_22, %dma_wait3A_50] : memref<10240x128xf32, #tpu.memory_space<vmem_shared>> -> memref<80x128xf32, #tpu.memory_space<vmem_shared>>
      %dma_wait3A_52 = arith.constant 0 : i32
      %dma_wait3A_53 = tpu.memref_slice %arg14[%add3A_22, %dma_wait3A_52] : memref<10240x128xf32, #tpu.memory_space<vmem_shared>> -> memref<80x128xf32, #tpu.memory_space<vmem_shared>>
      tpu.wait_dma2 semaphore(%run_scoped3A : memref<!tpu.dma_semaphore, #tpu.memory_space<semaphore_mem>>) src(%arg9 : memref<80x128xf32, #tpu.memory_space<vmem>>) dst(%dma_wait3A_53 : memref<80x128xf32, #tpu.memory_space<vmem_shared>>)
      tpu.yield
    }) : () -> ()
    %add3A_23 = arith.constant 480 : i32
    %add3A_24 = arith.addi %mul3A_4, %add3A_23 : i32
    "tpu.region"() ({
      %run_scoped3A = tpu.sem_alloc : memref<!tpu.dma_semaphore, #tpu.memory_space<semaphore_mem>>
      %dma_start3A_46 = arith.constant 0 : i32
      %dma_start3A_47 = tpu.memref_slice %arg14[%add3A_24, %dma_start3A_46] : memref<10240x128xf32, #tpu.memory_space<vmem_shared>> -> memref<80x128xf32, #tpu.memory_space<vmem_shared>>
      %dma_start3A_48 = arith.constant 0 : i32
      %dma_start3A_49 = tpu.memref_slice %arg14[%add3A_24, %dma_start3A_48] : memref<10240x128xf32, #tpu.memory_space<vmem_shared>> -> memref<80x128xf32, #tpu.memory_space<vmem_shared>>
      tpu.enqueue_dma source(%arg9 : memref<80x128xf32, #tpu.memory_space<vmem>>) target(%dma_start3A_49 : memref<80x128xf32, #tpu.memory_space<vmem_shared>>) target_semaphore(%run_scoped3A : memref<!tpu.dma_semaphore, #tpu.memory_space<semaphore_mem>>)
      %dma_wait3A_50 = arith.constant 0 : i32
      %dma_wait3A_51 = tpu.memref_slice %arg14[%add3A_24, %dma_wait3A_50] : memref<10240x128xf32, #tpu.memory_space<vmem_shared>> -> memref<80x128xf32, #tpu.memory_space<vmem_shared>>
      %dma_wait3A_52 = arith.constant 0 : i32
      %dma_wait3A_53 = tpu.memref_slice %arg14[%add3A_24, %dma_wait3A_52] : memref<10240x128xf32, #tpu.memory_space<vmem_shared>> -> memref<80x128xf32, #tpu.memory_space<vmem_shared>>
      tpu.wait_dma2 semaphore(%run_scoped3A : memref<!tpu.dma_semaphore, #tpu.memory_space<semaphore_mem>>) src(%arg9 : memref<80x128xf32, #tpu.memory_space<vmem>>) dst(%dma_wait3A_53 : memref<80x128xf32, #tpu.memory_space<vmem_shared>>)
      tpu.yield
    }) : () -> ()
    %add3A_25 = arith.constant 560 : i32
    %add3A_26 = arith.addi %mul3A_4, %add3A_25 : i32
    "tpu.region"() ({
      %run_scoped3A = tpu.sem_alloc : memref<!tpu.dma_semaphore, #tpu.memory_space<semaphore_mem>>
      %dma_start3A_46 = arith.constant 0 : i32
      %dma_start3A_47 = tpu.memref_slice %arg14[%add3A_26, %dma_start3A_46] : memref<10240x128xf32, #tpu.memory_space<vmem_shared>> -> memref<80x128xf32, #tpu.memory_space<vmem_shared>>
      %dma_start3A_48 = arith.constant 0 : i32
      %dma_start3A_49 = tpu.memref_slice %arg14[%add3A_26, %dma_start3A_48] : memref<10240x128xf32, #tpu.memory_space<vmem_shared>> -> memref<80x128xf32, #tpu.memory_space<vmem_shared>>
      tpu.enqueue_dma source(%arg9 : memref<80x128xf32, #tpu.memory_space<vmem>>) target(%dma_start3A_49 : memref<80x128xf32, #tpu.memory_space<vmem_shared>>) target_semaphore(%run_scoped3A : memref<!tpu.dma_semaphore, #tpu.memory_space<semaphore_mem>>)
      %dma_wait3A_50 = arith.constant 0 : i32
      %dma_wait3A_51 = tpu.memref_slice %arg14[%add3A_26, %dma_wait3A_50] : memref<10240x128xf32, #tpu.memory_space<vmem_shared>> -> memref<80x128xf32, #tpu.memory_space<vmem_shared>>
      %dma_wait3A_52 = arith.constant 0 : i32
      %dma_wait3A_53 = tpu.memref_slice %arg14[%add3A_26, %dma_wait3A_52] : memref<10240x128xf32, #tpu.memory_space<vmem_shared>> -> memref<80x128xf32, #tpu.memory_space<vmem_shared>>
      tpu.wait_dma2 semaphore(%run_scoped3A : memref<!tpu.dma_semaphore, #tpu.memory_space<semaphore_mem>>) src(%arg9 : memref<80x128xf32, #tpu.memory_space<vmem>>) dst(%dma_wait3A_53 : memref<80x128xf32, #tpu.memory_space<vmem_shared>>)
      tpu.yield
    }) : () -> ()
    %mul3A_27 = arith.constant 40 : i32
    %mul3A_28 = arith.muli %arg1, %mul3A_27 : i32
    "tpu.region"() ({
      %run_scoped3A = tpu.sem_alloc : memref<!tpu.dma_semaphore, #tpu.memory_space<semaphore_mem>>
      %dma_start3A_46 = arith.constant 0 : i32
      %dma_start3A_47 = arith.constant 0 : i32
      %dma_start3A_48 = tpu.memref_slice %arg9[%dma_start3A_46, %dma_start3A_47] : memref<80x128xf32, #tpu.memory_space<vmem>> -> memref<40x128xf32, #tpu.memory_space<vmem>>
      %dma_start3A_49 = arith.constant 0 : i32
      %dma_start3A_50 = tpu.memref_slice %arg15[%mul3A_28, %dma_start3A_49] : memref<640x128xf32, #tpu.memory_space<vmem_shared>> -> memref<40x128xf32, #tpu.memory_space<vmem_shared>>
      %dma_start3A_51 = arith.constant 0 : i32
      %dma_start3A_52 = tpu.memref_slice %arg15[%mul3A_28, %dma_start3A_51] : memref<640x128xf32, #tpu.memory_space<vmem_shared>> -> memref<40x128xf32, #tpu.memory_space<vmem_shared>>
      %dma_start3A_53 = arith.constant 0 : i32
      %dma_start3A_54 = arith.constant 0 : i32
      %dma_start3A_55 = tpu.memref_slice %arg9[%dma_start3A_53, %dma_start3A_54] : memref<80x128xf32, #tpu.memory_space<vmem>> -> memref<40x128xf32, #tpu.memory_space<vmem>>
      tpu.enqueue_dma source(%dma_start3A_55 : memref<40x128xf32, #tpu.memory_space<vmem>>) target(%dma_start3A_52 : memref<40x128xf32, #tpu.memory_space<vmem_shared>>) target_semaphore(%run_scoped3A : memref<!tpu.dma_semaphore, #tpu.memory_space<semaphore_mem>>)
      %dma_wait3A_56 = arith.constant 0 : i32
      %dma_wait3A_57 = arith.constant 0 : i32
      %dma_wait3A_58 = tpu.memref_slice %arg9[%dma_wait3A_56, %dma_wait3A_57] : memref<80x128xf32, #tpu.memory_space<vmem>> -> memref<40x128xf32, #tpu.memory_space<vmem>>
      %dma_wait3A_59 = arith.constant 0 : i32
      %dma_wait3A_60 = tpu.memref_slice %arg15[%mul3A_28, %dma_wait3A_59] : memref<640x128xf32, #tpu.memory_space<vmem_shared>> -> memref<40x128xf32, #tpu.memory_space<vmem_shared>>
      %dma_wait3A_61 = arith.constant 0 : i32
      %dma_wait3A_62 = tpu.memref_slice %arg15[%mul3A_28, %dma_wait3A_61] : memref<640x128xf32, #tpu.memory_space<vmem_shared>> -> memref<40x128xf32, #tpu.memory_space<vmem_shared>>
      %dma_wait3A_63 = arith.constant 0 : i32
      %dma_wait3A_64 = arith.constant 0 : i32
      %dma_wait3A_65 = tpu.memref_slice %arg9[%dma_wait3A_63, %dma_wait3A_64] : memref<80x128xf32, #tpu.memory_space<vmem>> -> memref<40x128xf32, #tpu.memory_space<vmem>>
      tpu.wait_dma2 semaphore(%run_scoped3A : memref<!tpu.dma_semaphore, #tpu.memory_space<semaphore_mem>>) src(%dma_wait3A_65 : memref<40x128xf32, #tpu.memory_space<vmem>>) dst(%dma_wait3A_62 : memref<40x128xf32, #tpu.memory_space<vmem_shared>>)
      tpu.yield
    }) : () -> ()
    %barrier3A = arith.constant 0 : index
    tpu.barrier barrier_id(%barrier3A)
    %mul3A_29 = arith.constant 16 : i32
    %mul3A_30 = arith.muli %mul3A_2, %mul3A_29 : i32
    %dma_start3A = tpu.memref_slice %arg4[%mul3A_30] : memref<5120000xf32, #tpu.memory_space<hbm>> -> memref<1280xf32, #tpu.memory_space<hbm>>
    %dma_start3A_31 = tpu.memref_slice %arg4[%mul3A_30] : memref<5120000xf32, #tpu.memory_space<hbm>> -> memref<1280xf32, #tpu.memory_space<hbm>>
    tpu.enqueue_dma source(%dma_start3A_31 : memref<1280xf32, #tpu.memory_space<hbm>>) target(%arg12 : memref<1280xf32, #tpu.memory_space<vmem>>) target_semaphore(%arg18 : memref<!tpu.dma_semaphore, #tpu.memory_space<semaphore_mem>>)
    %scan3A_32 = arith.constant 0 : i32
    %scan3A_33 = arith.constant 0 : i32
    %scan3A_34 = arith.constant 125 : i32
    %scan3A_35 = arith.addi %scan3A_33, %scan3A_34 : i32
    %scan3A_36 = arith.constant 1 : i32
    scf.for %scan3A_46 = %scan3A_33 to %scan3A_35 step %scan3A_36  : i32 {
      %mul3A_47 = arith.constant 80 : i32
      %mul3A_48 = arith.muli %scan3A_46, %mul3A_47 : i32
      %add3A_49 = arith.addi %mul3A_2, %mul3A_48 : i32
      %mul3A_50 = arith.constant 16 : i32
      %mul3A_51 = arith.muli %add3A_49, %mul3A_50 : i32
      %dma_wait3A_52 = tpu.memref_slice %arg4[%mul3A_51] : memref<5120000xf32, #tpu.memory_space<hbm>> -> memref<1280xf32, #tpu.memory_space<hbm>>
      %dma_wait3A_53 = tpu.memref_slice %arg4[%mul3A_51] : memref<5120000xf32, #tpu.memory_space<hbm>> -> memref<1280xf32, #tpu.memory_space<hbm>>
      tpu.wait_dma2 semaphore(%arg18 : memref<!tpu.dma_semaphore, #tpu.memory_space<semaphore_mem>>) src(%dma_wait3A_53 : memref<1280xf32, #tpu.memory_space<hbm>>) dst(%arg12 : memref<1280xf32, #tpu.memory_space<vmem>>)
      %parallel_loop3A = arith.constant 0 : i32
      %parallel_loop3A_54 = arith.constant 5 : i32
      %parallel_loop3A_55 = arith.constant 1 : i32
      scf.for %parallel_loop3A_84 = %parallel_loop3A to %parallel_loop3A_54 step %parallel_loop3A_55  : i32 {
        %parallel_loop3A_85 = arith.constant 16 : i32
        %parallel_loop3A_86 = arith.muli %parallel_loop3A_84, %parallel_loop3A_85 : i32
        %parallel_loop3A_87 = vector.broadcast %parallel_loop3A_86 : i32 to vector<16xi32>
        %parallel_loop3A_88 = arith.addi %parallel_loop3A_87, %iota3A : vector<16xi32>
        %parallel_loop3A_89 = arith.constant 16 : i32
        %parallel_loop3A_90 = vector.broadcast %parallel_loop3A_89 : i32 to vector<16xi32>
        %parallel_loop3A_91 = arith.muli %parallel_loop3A_88, %parallel_loop3A_90 : vector<16xi32>
        %parallel_loop3A_92 = arith.constant 8 : i32
        %parallel_loop3A_93 = vector.broadcast %parallel_loop3A_92 : i32 to vector<16xi32>
        %parallel_loop3A_94 = arith.addi %parallel_loop3A_91, %parallel_loop3A_93 : vector<16xi32>
        %parallel_loop3A_95 = tpu.vector_load_idx %arg12[%parallel_loop3A_94] : memref<1280xf32, #tpu.memory_space<vmem>>[vector<16xi32>], vector<16xf32>,
        %parallel_loop3A_96 = vector.bitcast %parallel_loop3A_95 : vector<16xf32> to vector<16xi32>
        %parallel_loop3A_97 = arith.constant 16 : i32
        %parallel_loop3A_98 = vector.broadcast %parallel_loop3A_97 : i32 to vector<16xi32>
        %parallel_loop3A_99 = arith.muli %parallel_loop3A_88, %parallel_loop3A_98 : vector<16xi32>
        %parallel_loop3A_100 = arith.constant 8 : i32
        %parallel_loop3A_101 = vector.broadcast %parallel_loop3A_100 : i32 to vector<16xi32>
        %parallel_loop3A_102 = arith.addi %parallel_loop3A_99, %parallel_loop3A_101 : vector<16xi32>
        %parallel_loop3A_103 = arith.constant 1 : i32
        %parallel_loop3A_104 = vector.broadcast %parallel_loop3A_103 : i32 to vector<16xi32>
        %parallel_loop3A_105 = arith.addi %parallel_loop3A_102, %parallel_loop3A_104 : vector<16xi32>
        %parallel_loop3A_106 = tpu.vector_load_idx %arg12[%parallel_loop3A_105] : memref<1280xf32, #tpu.memory_space<vmem>>[vector<16xi32>], vector<16xf32>,
        %parallel_loop3A_107 = vector.bitcast %parallel_loop3A_106 : vector<16xf32> to vector<16xi32>
        %parallel_loop3A_108 = arith.constant 16 : i32
        %parallel_loop3A_109 = arith.muli %parallel_loop3A_84, %parallel_loop3A_108 : i32
        %parallel_loop3A_110 = arith.index_cast %parallel_loop3A_109 : i32 to index
        %parallel_loop3A_111 = tpu.vector_load %arg10[%parallel_loop3A_110] {strides = array<i32>} : memref<80xi32, #tpu.memory_space<vmem>>, vector<16xi32>,
        tpu.vector_store %arg10[%parallel_loop3A_110], %parallel_loop3A_96 {strides = array<i32>} : memref<80xi32, #tpu.memory_space<vmem>>, vector<16xi32>,
        %parallel_loop3A_112 = arith.constant 16 : i32
        %parallel_loop3A_113 = arith.muli %parallel_loop3A_84, %parallel_loop3A_112 : i32
        %parallel_loop3A_114 = arith.index_cast %parallel_loop3A_113 : i32 to index
        %parallel_loop3A_115 = tpu.vector_load %arg11[%parallel_loop3A_114] {strides = array<i32>} : memref<80xi32, #tpu.memory_space<vmem>>, vector<16xi32>,
        tpu.vector_store %arg11[%parallel_loop3A_114], %parallel_loop3A_107 {strides = array<i32>} : memref<80xi32, #tpu.memory_space<vmem>>, vector<16xi32>,
      } {sc.loop_unroll_factor = 1 : i64, sc.parallel_access}
      %dma_start3A_56 = arith.constant 0 : i32
      %dma_start3A_57 = arith.constant 0 : i32
      %dma_start3A_58 = tpu.memref_slice %arg3[%dma_start3A_56, %dma_start3A_57] : memref<10000x256xf32, #tpu.memory_space<hbm>> -> memref<10000x256xf32, #tpu.memory_space<hbm>>
      tpu.enqueue_indirect_dma source(%dma_start3A_58 : memref<10000x256xf32, #tpu.memory_space<hbm>>) target(%arg7 : memref<80x256xf32, #tpu.memory_space<vmem>>) offsets(%arg10 : memref<80xi32, #tpu.memory_space<vmem>>) semaphore(%arg16 : memref<!tpu.dma_semaphore, #tpu.memory_space<semaphore_mem>>)
      %dma_start3A_59 = arith.constant 0 : i32
      %dma_start3A_60 = arith.constant 0 : i32
      %dma_start3A_61 = tpu.memref_slice %arg2[%dma_start3A_59, %dma_start3A_60] : memref<10000x128xf32, #tpu.memory_space<hbm>> -> memref<10000x128xf32, #tpu.memory_space<hbm>>
      tpu.enqueue_indirect_dma source(%dma_start3A_61 : memref<10000x128xf32, #tpu.memory_space<hbm>>) target(%arg8 : memref<80x128xf32, #tpu.memory_space<vmem>>) offsets(%arg11 : memref<80xi32, #tpu.memory_space<vmem>>) semaphore(%arg17 : memref<!tpu.dma_semaphore, #tpu.memory_space<semaphore_mem>>)
      %dma_wait3A_62 = arith.constant 0 : i32
      %dma_wait3A_63 = arith.constant 0 : i32
      %dma_wait3A_64 = tpu.memref_slice %arg3[%dma_wait3A_62, %dma_wait3A_63] : memref<10000x256xf32, #tpu.memory_space<hbm>> -> memref<10000x256xf32, #tpu.memory_space<hbm>>
      tpu.wait_indirect_dma semaphore(%arg16 : memref<!tpu.dma_semaphore, #tpu.memory_space<semaphore_mem>>) src(%dma_wait3A_64 : memref<10000x256xf32, #tpu.memory_space<hbm>>) dst(%arg7 : memref<80x256xf32, #tpu.memory_space<vmem>>)
      %dma_wait3A_65 = arith.constant 0 : i32
      %dma_wait3A_66 = arith.constant 0 : i32
      %dma_wait3A_67 = tpu.memref_slice %arg2[%dma_wait3A_65, %dma_wait3A_66] : memref<10000x128xf32, #tpu.memory_space<hbm>> -> memref<10000x128xf32, #tpu.memory_space<hbm>>
      tpu.wait_indirect_dma semaphore(%arg17 : memref<!tpu.dma_semaphore, #tpu.memory_space<semaphore_mem>>) src(%dma_wait3A_67 : memref<10000x128xf32, #tpu.memory_space<hbm>>) dst(%arg8 : memref<80x128xf32, #tpu.memory_space<vmem>>)
      %parallel_loop3A_68 = arith.constant 0 : i32
      %parallel_loop3A_69 = arith.constant 5 : i32
      %parallel_loop3A_70 = arith.constant 1 : i32
      scf.for %parallel_loop3A_84 = %parallel_loop3A_68 to %parallel_loop3A_69 step %parallel_loop3A_70  : i32 {
        %parallel_loop3A_85 = arith.constant 16 : i32
        %parallel_loop3A_86 = arith.muli %parallel_loop3A_84, %parallel_loop3A_85 : i32
        %parallel_loop3A_87 = arith.index_cast %parallel_loop3A_86 : i32 to index
        %parallel_loop3A_88 = tpu.vector_load %arg11[%parallel_loop3A_87] {strides = array<i32>} : memref<80xi32, #tpu.memory_space<vmem>>, vector<16xi32>,
        %parallel_loop3A_89 = arith.constant 4 : i32
        %parallel_loop3A_90 = vector.broadcast %parallel_loop3A_89 : i32 to vector<16xi32>
        %parallel_loop3A_91 = arith.shrui %parallel_loop3A_88, %parallel_loop3A_90 : vector<16xi32>
        %parallel_loop3A_92 = arith.constant 16 : i32
        %parallel_loop3A_93 = arith.muli %parallel_loop3A_84, %parallel_loop3A_92 : i32
        %parallel_loop3A_94 = arith.index_cast %parallel_loop3A_93 : i32 to index
        %parallel_loop3A_95 = tpu.vector_load %arg10[%parallel_loop3A_94] {strides = array<i32>} : memref<80xi32, #tpu.memory_space<vmem>>, vector<16xi32>,
        tpu.vector_store %arg10[%parallel_loop3A_94], %parallel_loop3A_91 {strides = array<i32>} : memref<80xi32, #tpu.memory_space<vmem>>, vector<16xi32>,
      } {sc.loop_unroll_factor = 1 : i64, sc.parallel_access}
      %parallel_loop3A_71 = arith.constant 0 : i32
      %parallel_loop3A_72 = arith.constant 80 : i32
      %parallel_loop3A_73 = arith.constant 1 : i32
      scf.for %parallel_loop3A_84 = %parallel_loop3A_71 to %parallel_loop3A_72 step %parallel_loop3A_73  : i32 {
        %parallel_loop3A_85 = arith.constant 16 : i32
        %parallel_loop3A_86 = arith.muli %parallel_loop3A_84, %parallel_loop3A_85 : i32
        %parallel_loop3A_87 = arith.index_cast %parallel_loop3A_86 : i32 to index
        %parallel_loop3A_88 = tpu.vector_load %arg12[%parallel_loop3A_87] {strides = array<i32>} : memref<1280xf32, #tpu.memory_space<vmem>>, vector<16xf32>,
        %parallel_loop3A_89 = arith.constant 0.000000e+00 : f32
        %parallel_loop3A_90 = vector.broadcast %parallel_loop3A_89 : f32 to vector<16xf32>
        %parallel_loop3A_91 = arith.index_cast %parallel_loop3A_84 : i32 to index
        %parallel_loop3A_92 = arith.constant 0 : index
        %parallel_loop3A_93 = tpu.vector_load %arg7[%parallel_loop3A_91, %parallel_loop3A_92] {strides = array<i32>} : memref<80x256xf32, #tpu.memory_space<vmem>>, vector<16xf32>,
        %parallel_loop3A_94 = arith.index_cast %parallel_loop3A_84 : i32 to index
        %parallel_loop3A_95 = arith.constant 0 : index
        %parallel_loop3A_96 = tpu.vector_load %arg8[%parallel_loop3A_94, %parallel_loop3A_95] {strides = array<i32>} : memref<80x128xf32, #tpu.memory_space<vmem>>, vector<16xf32>,
        %parallel_loop3A_97 = arith.mulf %parallel_loop3A_93, %parallel_loop3A_96 : vector<16xf32>
        %parallel_loop3A_98 = arith.constant true
        %parallel_loop3A_99 = vector.broadcast %parallel_loop3A_98 : i1 to vector<16xi1>
        %parallel_loop3A_100 = tpu.scan <sum>, %parallel_loop3A_97 masked %parallel_loop3A_99 : vector<16xf32>, vector<16xi1> -> vector<16xf32>
        %parallel_loop3A_101 = arith.constant 0 : i32
        %parallel_loop3A_102 = vector.broadcast %parallel_loop3A_101 : i32 to vector<16xi32>
        %parallel_loop3A_103 = arith.cmpi eq, %iota3A, %parallel_loop3A_102 : vector<16xi32>
        %parallel_loop3A_104 = vector.extract_strided_slice %parallel_loop3A_100 {offsets = [15], sizes = [1], strides = [1]} : vector<16xf32> to vector<1xf32>
        %parallel_loop3A_105 = vector.extract %parallel_loop3A_104[0] : f32 from vector<1xf32>
        %parallel_loop3A_106 = vector.broadcast %parallel_loop3A_105 : f32 to vector<16xf32>
        %parallel_loop3A_107 = arith.constant 0.000000e+00 : f32
        %parallel_loop3A_108 = vector.broadcast %parallel_loop3A_107 : f32 to vector<16xf32>
        %parallel_loop3A_109 = arith.select %parallel_loop3A_103, %parallel_loop3A_106, %parallel_loop3A_108 : vector<16xi1>, vector<16xf32>
        %parallel_loop3A_110 = arith.addf %parallel_loop3A_90, %parallel_loop3A_109 : vector<16xf32>
        %parallel_loop3A_111 = arith.index_cast %parallel_loop3A_84 : i32 to index
        %parallel_loop3A_112 = arith.constant 16 : index
        %parallel_loop3A_113 = tpu.vector_load %arg7[%parallel_loop3A_111, %parallel_loop3A_112] {strides = array<i32>} : memref<80x256xf32, #tpu.memory_space<vmem>>, vector<16xf32>,
        %parallel_loop3A_114 = arith.index_cast %parallel_loop3A_84 : i32 to index
        %parallel_loop3A_115 = arith.constant 16 : index
        %parallel_loop3A_116 = tpu.vector_load %arg8[%parallel_loop3A_114, %parallel_loop3A_115] {strides = array<i32>} : memref<80x128xf32, #tpu.memory_space<vmem>>, vector<16xf32>,
        %parallel_loop3A_117 = arith.mulf %parallel_loop3A_113, %parallel_loop3A_116 : vector<16xf32>
        %parallel_loop3A_118 = arith.constant true
        %parallel_loop3A_119 = vector.broadcast %parallel_loop3A_118 : i1 to vector<16xi1>
        %parallel_loop3A_120 = tpu.scan <sum>, %parallel_loop3A_117 masked %parallel_loop3A_119 : vector<16xf32>, vector<16xi1> -> vector<16xf32>
        %parallel_loop3A_121 = arith.constant 1 : i32
        %parallel_loop3A_122 = vector.broadcast %parallel_loop3A_121 : i32 to vector<16xi32>
        %parallel_loop3A_123 = arith.cmpi eq, %iota3A, %parallel_loop3A_122 : vector<16xi32>
        %parallel_loop3A_124 = vector.extract_strided_slice %parallel_loop3A_120 {offsets = [15], sizes = [1], strides = [1]} : vector<16xf32> to vector<1xf32>
        %parallel_loop3A_125 = vector.extract %parallel_loop3A_124[0] : f32 from vector<1xf32>
        %parallel_loop3A_126 = vector.broadcast %parallel_loop3A_125 : f32 to vector<16xf32>
        %parallel_loop3A_127 = arith.constant 0.000000e+00 : f32
        %parallel_loop3A_128 = vector.broadcast %parallel_loop3A_127 : f32 to vector<16xf32>
        %parallel_loop3A_129 = arith.select %parallel_loop3A_123, %parallel_loop3A_126, %parallel_loop3A_128 : vector<16xi1>, vector<16xf32>
        %parallel_loop3A_130 = arith.addf %parallel_loop3A_110, %parallel_loop3A_129 : vector<16xf32>
        %parallel_loop3A_131 = arith.index_cast %parallel_loop3A_84 : i32 to index
        %parallel_loop3A_132 = arith.constant 32 : index
        %parallel_loop3A_133 = tpu.vector_load %arg7[%parallel_loop3A_131, %parallel_loop3A_132] {strides = array<i32>} : memref<80x256xf32, #tpu.memory_space<vmem>>, vector<16xf32>,
        %parallel_loop3A_134 = arith.index_cast %parallel_loop3A_84 : i32 to index
        %parallel_loop3A_135 = arith.constant 32 : index
        %parallel_loop3A_136 = tpu.vector_load %arg8[%parallel_loop3A_134, %parallel_loop3A_135] {strides = array<i32>} : memref<80x128xf32, #tpu.memory_space<vmem>>, vector<16xf32>,
        %parallel_loop3A_137 = arith.mulf %parallel_loop3A_133, %parallel_loop3A_136 : vector<16xf32>
        %parallel_loop3A_138 = arith.constant true
        %parallel_loop3A_139 = vector.broadcast %parallel_loop3A_138 : i1 to vector<16xi1>
        %parallel_loop3A_140 = tpu.scan <sum>, %parallel_loop3A_137 masked %parallel_loop3A_139 : vector<16xf32>, vector<16xi1> -> vector<16xf32>
        %parallel_loop3A_141 = arith.constant 2 : i32
        %parallel_loop3A_142 = vector.broadcast %parallel_loop3A_141 : i32 to vector<16xi32>
        %parallel_loop3A_143 = arith.cmpi eq, %iota3A, %parallel_loop3A_142 : vector<16xi32>
        %parallel_loop3A_144 = vector.extract_strided_slice %parallel_loop3A_140 {offsets = [15], sizes = [1], strides = [1]} : vector<16xf32> to vector<1xf32>
        %parallel_loop3A_145 = vector.extract %parallel_loop3A_144[0] : f32 from vector<1xf32>
        %parallel_loop3A_146 = vector.broadcast %parallel_loop3A_145 : f32 to vector<16xf32>
        %parallel_loop3A_147 = arith.constant 0.000000e+00 : f32
        %parallel_loop3A_148 = vector.broadcast %parallel_loop3A_147 : f32 to vector<16xf32>
        %parallel_loop3A_149 = arith.select %parallel_loop3A_143, %parallel_loop3A_146, %parallel_loop3A_148 : vector<16xi1>, vector<16xf32>
        %parallel_loop3A_150 = arith.addf %parallel_loop3A_130, %parallel_loop3A_149 : vector<16xf32>
        %parallel_loop3A_151 = arith.index_cast %parallel_loop3A_84 : i32 to index
        %parallel_loop3A_152 = arith.constant 48 : index
        %parallel_loop3A_153 = tpu.vector_load %arg7[%parallel_loop3A_151, %parallel_loop3A_152] {strides = array<i32>} : memref<80x256xf32, #tpu.memory_space<vmem>>, vector<16xf32>,
        %parallel_loop3A_154 = arith.index_cast %parallel_loop3A_84 : i32 to index
        %parallel_loop3A_155 = arith.constant 48 : index
        %parallel_loop3A_156 = tpu.vector_load %arg8[%parallel_loop3A_154, %parallel_loop3A_155] {strides = array<i32>} : memref<80x128xf32, #tpu.memory_space<vmem>>, vector<16xf32>,
        %parallel_loop3A_157 = arith.mulf %parallel_loop3A_153, %parallel_loop3A_156 : vector<16xf32>
        %parallel_loop3A_158 = arith.constant true
        %parallel_loop3A_159 = vector.broadcast %parallel_loop3A_158 : i1 to vector<16xi1>
        %parallel_loop3A_160 = tpu.scan <sum>, %parallel_loop3A_157 masked %parallel_loop3A_159 : vector<16xf32>, vector<16xi1> -> vector<16xf32>
        %parallel_loop3A_161 = arith.constant 3 : i32
        %parallel_loop3A_162 = vector.broadcast %parallel_loop3A_161 : i32 to vector<16xi32>
        %parallel_loop3A_163 = arith.cmpi eq, %iota3A, %parallel_loop3A_162 : vector<16xi32>
        %parallel_loop3A_164 = vector.extract_strided_slice %parallel_loop3A_160 {offsets = [15], sizes = [1], strides = [1]} : vector<16xf32> to vector<1xf32>
        %parallel_loop3A_165 = vector.extract %parallel_loop3A_164[0] : f32 from vector<1xf32>
        %parallel_loop3A_166 = vector.broadcast %parallel_loop3A_165 : f32 to vector<16xf32>
        %parallel_loop3A_167 = arith.constant 0.000000e+00 : f32
        %parallel_loop3A_168 = vector.broadcast %parallel_loop3A_167 : f32 to vector<16xf32>
        %parallel_loop3A_169 = arith.select %parallel_loop3A_163, %parallel_loop3A_166, %parallel_loop3A_168 : vector<16xi1>, vector<16xf32>
        %parallel_loop3A_170 = arith.addf %parallel_loop3A_150, %parallel_loop3A_169 : vector<16xf32>
        %parallel_loop3A_171 = arith.index_cast %parallel_loop3A_84 : i32 to index
        %parallel_loop3A_172 = arith.constant 64 : index
        %parallel_loop3A_173 = tpu.vector_load %arg7[%parallel_loop3A_171, %parallel_loop3A_172] {strides = array<i32>} : memref<80x256xf32, #tpu.memory_space<vmem>>, vector<16xf32>,
        %parallel_loop3A_174 = arith.index_cast %parallel_loop3A_84 : i32 to index
        %parallel_loop3A_175 = arith.constant 64 : index
        %parallel_loop3A_176 = tpu.vector_load %arg8[%parallel_loop3A_174, %parallel_loop3A_175] {strides = array<i32>} : memref<80x128xf32, #tpu.memory_space<vmem>>, vector<16xf32>,
        %parallel_loop3A_177 = arith.mulf %parallel_loop3A_173, %parallel_loop3A_176 : vector<16xf32>
        %parallel_loop3A_178 = arith.constant true
        %parallel_loop3A_179 = vector.broadcast %parallel_loop3A_178 : i1 to vector<16xi1>
        %parallel_loop3A_180 = tpu.scan <sum>, %parallel_loop3A_177 masked %parallel_loop3A_179 : vector<16xf32>, vector<16xi1> -> vector<16xf32>
        %parallel_loop3A_181 = arith.constant 4 : i32
        %parallel_loop3A_182 = vector.broadcast %parallel_loop3A_181 : i32 to vector<16xi32>
        %parallel_loop3A_183 = arith.cmpi eq, %iota3A, %parallel_loop3A_182 : vector<16xi32>
        %parallel_loop3A_184 = vector.extract_strided_slice %parallel_loop3A_180 {offsets = [15], sizes = [1], strides = [1]} : vector<16xf32> to vector<1xf32>
        %parallel_loop3A_185 = vector.extract %parallel_loop3A_184[0] : f32 from vector<1xf32>
        %parallel_loop3A_186 = vector.broadcast %parallel_loop3A_185 : f32 to vector<16xf32>
        %parallel_loop3A_187 = arith.constant 0.000000e+00 : f32
        %parallel_loop3A_188 = vector.broadcast %parallel_loop3A_187 : f32 to vector<16xf32>
        %parallel_loop3A_189 = arith.select %parallel_loop3A_183, %parallel_loop3A_186, %parallel_loop3A_188 : vector<16xi1>, vector<16xf32>
        %parallel_loop3A_190 = arith.addf %parallel_loop3A_170, %parallel_loop3A_189 : vector<16xf32>
        %parallel_loop3A_191 = arith.index_cast %parallel_loop3A_84 : i32 to index
        %parallel_loop3A_192 = arith.constant 80 : index
        %parallel_loop3A_193 = tpu.vector_load %arg7[%parallel_loop3A_191, %parallel_loop3A_192] {strides = array<i32>} : memref<80x256xf32, #tpu.memory_space<vmem>>, vector<16xf32>,
        %parallel_loop3A_194 = arith.index_cast %parallel_loop3A_84 : i32 to index
        %parallel_loop3A_195 = arith.constant 80 : index
        %parallel_loop3A_196 = tpu.vector_load %arg8[%parallel_loop3A_194, %parallel_loop3A_195] {strides = array<i32>} : memref<80x128xf32, #tpu.memory_space<vmem>>, vector<16xf32>,
        %parallel_loop3A_197 = arith.mulf %parallel_loop3A_193, %parallel_loop3A_196 : vector<16xf32>
        %parallel_loop3A_198 = arith.constant true
        %parallel_loop3A_199 = vector.broadcast %parallel_loop3A_198 : i1 to vector<16xi1>
        %parallel_loop3A_200 = tpu.scan <sum>, %parallel_loop3A_197 masked %parallel_loop3A_199 : vector<16xf32>, vector<16xi1> -> vector<16xf32>
        %parallel_loop3A_201 = arith.constant 5 : i32
        %parallel_loop3A_202 = vector.broadcast %parallel_loop3A_201 : i32 to vector<16xi32>
        %parallel_loop3A_203 = arith.cmpi eq, %iota3A, %parallel_loop3A_202 : vector<16xi32>
        %parallel_loop3A_204 = vector.extract_strided_slice %parallel_loop3A_200 {offsets = [15], sizes = [1], strides = [1]} : vector<16xf32> to vector<1xf32>
        %parallel_loop3A_205 = vector.extract %parallel_loop3A_204[0] : f32 from vector<1xf32>
        %parallel_loop3A_206 = vector.broadcast %parallel_loop3A_205 : f32 to vector<16xf32>
        %parallel_loop3A_207 = arith.constant 0.000000e+00 : f32
        %parallel_loop3A_208 = vector.broadcast %parallel_loop3A_207 : f32 to vector<16xf32>
        %parallel_loop3A_209 = arith.select %parallel_loop3A_203, %parallel_loop3A_206, %parallel_loop3A_208 : vector<16xi1>, vector<16xf32>
        %parallel_loop3A_210 = arith.addf %parallel_loop3A_190, %parallel_loop3A_209 : vector<16xf32>
        %parallel_loop3A_211 = arith.index_cast %parallel_loop3A_84 : i32 to index
        %parallel_loop3A_212 = arith.constant 96 : index
        %parallel_loop3A_213 = tpu.vector_load %arg7[%parallel_loop3A_211, %parallel_loop3A_212] {strides = array<i32>} : memref<80x256xf32, #tpu.memory_space<vmem>>, vector<16xf32>,
        %parallel_loop3A_214 = arith.index_cast %parallel_loop3A_84 : i32 to index
        %parallel_loop3A_215 = arith.constant 96 : index
        %parallel_loop3A_216 = tpu.vector_load %arg8[%parallel_loop3A_214, %parallel_loop3A_215] {strides = array<i32>} : memref<80x128xf32, #tpu.memory_space<vmem>>, vector<16xf32>,
        %parallel_loop3A_217 = arith.mulf %parallel_loop3A_213, %parallel_loop3A_216 : vector<16xf32>
        %parallel_loop3A_218 = arith.constant true
        %parallel_loop3A_219 = vector.broadcast %parallel_loop3A_218 : i1 to vector<16xi1>
        %parallel_loop3A_220 = tpu.scan <sum>, %parallel_loop3A_217 masked %parallel_loop3A_219 : vector<16xf32>, vector<16xi1> -> vector<16xf32>
        %parallel_loop3A_221 = arith.constant 6 : i32
        %parallel_loop3A_222 = vector.broadcast %parallel_loop3A_221 : i32 to vector<16xi32>
        %parallel_loop3A_223 = arith.cmpi eq, %iota3A, %parallel_loop3A_222 : vector<16xi32>
        %parallel_loop3A_224 = vector.extract_strided_slice %parallel_loop3A_220 {offsets = [15], sizes = [1], strides = [1]} : vector<16xf32> to vector<1xf32>
        %parallel_loop3A_225 = vector.extract %parallel_loop3A_224[0] : f32 from vector<1xf32>
        %parallel_loop3A_226 = vector.broadcast %parallel_loop3A_225 : f32 to vector<16xf32>
        %parallel_loop3A_227 = arith.constant 0.000000e+00 : f32
        %parallel_loop3A_228 = vector.broadcast %parallel_loop3A_227 : f32 to vector<16xf32>
        %parallel_loop3A_229 = arith.select %parallel_loop3A_223, %parallel_loop3A_226, %parallel_loop3A_228 : vector<16xi1>, vector<16xf32>
        %parallel_loop3A_230 = arith.addf %parallel_loop3A_210, %parallel_loop3A_229 : vector<16xf32>
        %parallel_loop3A_231 = arith.index_cast %parallel_loop3A_84 : i32 to index
        %parallel_loop3A_232 = arith.constant 112 : index
        %parallel_loop3A_233 = tpu.vector_load %arg7[%parallel_loop3A_231, %parallel_loop3A_232] {strides = array<i32>} : memref<80x256xf32, #tpu.memory_space<vmem>>, vector<16xf32>,
        %parallel_loop3A_234 = arith.index_cast %parallel_loop3A_84 : i32 to index
        %parallel_loop3A_235 = arith.constant 112 : index
        %parallel_loop3A_236 = tpu.vector_load %arg8[%parallel_loop3A_234, %parallel_loop3A_235] {strides = array<i32>} : memref<80x128xf32, #tpu.memory_space<vmem>>, vector<16xf32>,
        %parallel_loop3A_237 = arith.mulf %parallel_loop3A_233, %parallel_loop3A_236 : vector<16xf32>
        %parallel_loop3A_238 = arith.constant true
        %parallel_loop3A_239 = vector.broadcast %parallel_loop3A_238 : i1 to vector<16xi1>
        %parallel_loop3A_240 = tpu.scan <sum>, %parallel_loop3A_237 masked %parallel_loop3A_239 : vector<16xf32>, vector<16xi1> -> vector<16xf32>
        %parallel_loop3A_241 = arith.constant 7 : i32
        %parallel_loop3A_242 = vector.broadcast %parallel_loop3A_241 : i32 to vector<16xi32>
        %parallel_loop3A_243 = arith.cmpi eq, %iota3A, %parallel_loop3A_242 : vector<16xi32>
        %parallel_loop3A_244 = vector.extract_strided_slice %parallel_loop3A_240 {offsets = [15], sizes = [1], strides = [1]} : vector<16xf32> to vector<1xf32>
        %parallel_loop3A_245 = vector.extract %parallel_loop3A_244[0] : f32 from vector<1xf32>
        %parallel_loop3A_246 = vector.broadcast %parallel_loop3A_245 : f32 to vector<16xf32>
        %parallel_loop3A_247 = arith.constant 0.000000e+00 : f32
        %parallel_loop3A_248 = vector.broadcast %parallel_loop3A_247 : f32 to vector<16xf32>
        %parallel_loop3A_249 = arith.select %parallel_loop3A_243, %parallel_loop3A_246, %parallel_loop3A_248 : vector<16xi1>, vector<16xf32>
        %parallel_loop3A_250 = arith.addf %parallel_loop3A_230, %parallel_loop3A_249 : vector<16xf32>
        %parallel_loop3A_251 = arith.addf %parallel_loop3A_250, %parallel_loop3A_88 : vector<16xf32>
        %parallel_loop3A_252 = math.exp %parallel_loop3A_251 : vector<16xf32>
        %parallel_loop3A_253 = vector.extract_strided_slice %parallel_loop3A_252 {offsets = [0], sizes = [1], strides = [1]} : vector<16xf32> to vector<1xf32>
        %parallel_loop3A_254 = vector.extract %parallel_loop3A_253[0] : f32 from vector<1xf32>
        %parallel_loop3A_255 = vector.broadcast %parallel_loop3A_254 : f32 to vector<16xf32>
        %parallel_loop3A_256 = arith.index_cast %parallel_loop3A_84 : i32 to index
        %parallel_loop3A_257 = arith.constant 128 : index
        %parallel_loop3A_258 = tpu.vector_load %arg7[%parallel_loop3A_256, %parallel_loop3A_257] {strides = array<i32>} : memref<80x256xf32, #tpu.memory_space<vmem>>, vector<16xf32>,
        %parallel_loop3A_259 = arith.mulf %parallel_loop3A_258, %parallel_loop3A_255 : vector<16xf32>
        %parallel_loop3A_260 = arith.index_cast %parallel_loop3A_84 : i32 to index
        %parallel_loop3A_261 = arith.constant 0 : index
        %parallel_loop3A_262 = tpu.vector_load %arg9[%parallel_loop3A_260, %parallel_loop3A_261] {strides = array<i32>} : memref<80x128xf32, #tpu.memory_space<vmem>>, vector<16xf32>,
        tpu.vector_store %arg9[%parallel_loop3A_260, %parallel_loop3A_261], %parallel_loop3A_259 {strides = array<i32>} : memref<80x128xf32, #tpu.memory_space<vmem>>, vector<16xf32>,
        %parallel_loop3A_263 = vector.extract_strided_slice %parallel_loop3A_252 {offsets = [1], sizes = [1], strides = [1]} : vector<16xf32> to vector<1xf32>
        %parallel_loop3A_264 = vector.extract %parallel_loop3A_263[0] : f32 from vector<1xf32>
        %parallel_loop3A_265 = vector.broadcast %parallel_loop3A_264 : f32 to vector<16xf32>
        %parallel_loop3A_266 = arith.index_cast %parallel_loop3A_84 : i32 to index
        %parallel_loop3A_267 = arith.constant 144 : index
        %parallel_loop3A_268 = tpu.vector_load %arg7[%parallel_loop3A_266, %parallel_loop3A_267] {strides = array<i32>} : memref<80x256xf32, #tpu.memory_space<vmem>>, vector<16xf32>,
        %parallel_loop3A_269 = arith.mulf %parallel_loop3A_268, %parallel_loop3A_265 : vector<16xf32>
        %parallel_loop3A_270 = arith.index_cast %parallel_loop3A_84 : i32 to index
        %parallel_loop3A_271 = arith.constant 16 : index
        %parallel_loop3A_272 = tpu.vector_load %arg9[%parallel_loop3A_270, %parallel_loop3A_271] {strides = array<i32>} : memref<80x128xf32, #tpu.memory_space<vmem>>, vector<16xf32>,
        tpu.vector_store %arg9[%parallel_loop3A_270, %parallel_loop3A_271], %parallel_loop3A_269 {strides = array<i32>} : memref<80x128xf32, #tpu.memory_space<vmem>>, vector<16xf32>,
        %parallel_loop3A_273 = vector.extract_strided_slice %parallel_loop3A_252 {offsets = [2], sizes = [1], strides = [1]} : vector<16xf32> to vector<1xf32>
        %parallel_loop3A_274 = vector.extract %parallel_loop3A_273[0] : f32 from vector<1xf32>
        %parallel_loop3A_275 = vector.broadcast %parallel_loop3A_274 : f32 to vector<16xf32>
        %parallel_loop3A_276 = arith.index_cast %parallel_loop3A_84 : i32 to index
        %parallel_loop3A_277 = arith.constant 160 : index
        %parallel_loop3A_278 = tpu.vector_load %arg7[%parallel_loop3A_276, %parallel_loop3A_277] {strides = array<i32>} : memref<80x256xf32, #tpu.memory_space<vmem>>, vector<16xf32>,
        %parallel_loop3A_279 = arith.mulf %parallel_loop3A_278, %parallel_loop3A_275 : vector<16xf32>
        %parallel_loop3A_280 = arith.index_cast %parallel_loop3A_84 : i32 to index
        %parallel_loop3A_281 = arith.constant 32 : index
        %parallel_loop3A_282 = tpu.vector_load %arg9[%parallel_loop3A_280, %parallel_loop3A_281] {strides = array<i32>} : memref<80x128xf32, #tpu.memory_space<vmem>>, vector<16xf32>,
        tpu.vector_store %arg9[%parallel_loop3A_280, %parallel_loop3A_281], %parallel_loop3A_279 {strides = array<i32>} : memref<80x128xf32, #tpu.memory_space<vmem>>, vector<16xf32>,
        %parallel_loop3A_283 = vector.extract_strided_slice %parallel_loop3A_252 {offsets = [3], sizes = [1], strides = [1]} : vector<16xf32> to vector<1xf32>
        %parallel_loop3A_284 = vector.extract %parallel_loop3A_283[0] : f32 from vector<1xf32>
        %parallel_loop3A_285 = vector.broadcast %parallel_loop3A_284 : f32 to vector<16xf32>
        %parallel_loop3A_286 = arith.index_cast %parallel_loop3A_84 : i32 to index
        %parallel_loop3A_287 = arith.constant 176 : index
        %parallel_loop3A_288 = tpu.vector_load %arg7[%parallel_loop3A_286, %parallel_loop3A_287] {strides = array<i32>} : memref<80x256xf32, #tpu.memory_space<vmem>>, vector<16xf32>,
        %parallel_loop3A_289 = arith.mulf %parallel_loop3A_288, %parallel_loop3A_285 : vector<16xf32>
        %parallel_loop3A_290 = arith.index_cast %parallel_loop3A_84 : i32 to index
        %parallel_loop3A_291 = arith.constant 48 : index
        %parallel_loop3A_292 = tpu.vector_load %arg9[%parallel_loop3A_290, %parallel_loop3A_291] {strides = array<i32>} : memref<80x128xf32, #tpu.memory_space<vmem>>, vector<16xf32>,
        tpu.vector_store %arg9[%parallel_loop3A_290, %parallel_loop3A_291], %parallel_loop3A_289 {strides = array<i32>} : memref<80x128xf32, #tpu.memory_space<vmem>>, vector<16xf32>,
        %parallel_loop3A_293 = vector.extract_strided_slice %parallel_loop3A_252 {offsets = [4], sizes = [1], strides = [1]} : vector<16xf32> to vector<1xf32>
        %parallel_loop3A_294 = vector.extract %parallel_loop3A_293[0] : f32 from vector<1xf32>
        %parallel_loop3A_295 = vector.broadcast %parallel_loop3A_294 : f32 to vector<16xf32>
        %parallel_loop3A_296 = arith.index_cast %parallel_loop3A_84 : i32 to index
        %parallel_loop3A_297 = arith.constant 192 : index
        %parallel_loop3A_298 = tpu.vector_load %arg7[%parallel_loop3A_296, %parallel_loop3A_297] {strides = array<i32>} : memref<80x256xf32, #tpu.memory_space<vmem>>, vector<16xf32>,
        %parallel_loop3A_299 = arith.mulf %parallel_loop3A_298, %parallel_loop3A_295 : vector<16xf32>
        %parallel_loop3A_300 = arith.index_cast %parallel_loop3A_84 : i32 to index
        %parallel_loop3A_301 = arith.constant 64 : index
        %parallel_loop3A_302 = tpu.vector_load %arg9[%parallel_loop3A_300, %parallel_loop3A_301] {strides = array<i32>} : memref<80x128xf32, #tpu.memory_space<vmem>>, vector<16xf32>,
        tpu.vector_store %arg9[%parallel_loop3A_300, %parallel_loop3A_301], %parallel_loop3A_299 {strides = array<i32>} : memref<80x128xf32, #tpu.memory_space<vmem>>, vector<16xf32>,
        %parallel_loop3A_303 = vector.extract_strided_slice %parallel_loop3A_252 {offsets = [5], sizes = [1], strides = [1]} : vector<16xf32> to vector<1xf32>
        %parallel_loop3A_304 = vector.extract %parallel_loop3A_303[0] : f32 from vector<1xf32>
        %parallel_loop3A_305 = vector.broadcast %parallel_loop3A_304 : f32 to vector<16xf32>
        %parallel_loop3A_306 = arith.index_cast %parallel_loop3A_84 : i32 to index
        %parallel_loop3A_307 = arith.constant 208 : index
        %parallel_loop3A_308 = tpu.vector_load %arg7[%parallel_loop3A_306, %parallel_loop3A_307] {strides = array<i32>} : memref<80x256xf32, #tpu.memory_space<vmem>>, vector<16xf32>,
        %parallel_loop3A_309 = arith.mulf %parallel_loop3A_308, %parallel_loop3A_305 : vector<16xf32>
        %parallel_loop3A_310 = arith.index_cast %parallel_loop3A_84 : i32 to index
        %parallel_loop3A_311 = arith.constant 80 : index
        %parallel_loop3A_312 = tpu.vector_load %arg9[%parallel_loop3A_310, %parallel_loop3A_311] {strides = array<i32>} : memref<80x128xf32, #tpu.memory_space<vmem>>, vector<16xf32>,
        tpu.vector_store %arg9[%parallel_loop3A_310, %parallel_loop3A_311], %parallel_loop3A_309 {strides = array<i32>} : memref<80x128xf32, #tpu.memory_space<vmem>>, vector<16xf32>,
        %parallel_loop3A_313 = vector.extract_strided_slice %parallel_loop3A_252 {offsets = [6], sizes = [1], strides = [1]} : vector<16xf32> to vector<1xf32>
        %parallel_loop3A_314 = vector.extract %parallel_loop3A_313[0] : f32 from vector<1xf32>
        %parallel_loop3A_315 = vector.broadcast %parallel_loop3A_314 : f32 to vector<16xf32>
        %parallel_loop3A_316 = arith.index_cast %parallel_loop3A_84 : i32 to index
        %parallel_loop3A_317 = arith.constant 224 : index
        %parallel_loop3A_318 = tpu.vector_load %arg7[%parallel_loop3A_316, %parallel_loop3A_317] {strides = array<i32>} : memref<80x256xf32, #tpu.memory_space<vmem>>, vector<16xf32>,
        %parallel_loop3A_319 = arith.mulf %parallel_loop3A_318, %parallel_loop3A_315 : vector<16xf32>
        %parallel_loop3A_320 = arith.index_cast %parallel_loop3A_84 : i32 to index
        %parallel_loop3A_321 = arith.constant 96 : index
        %parallel_loop3A_322 = tpu.vector_load %arg9[%parallel_loop3A_320, %parallel_loop3A_321] {strides = array<i32>} : memref<80x128xf32, #tpu.memory_space<vmem>>, vector<16xf32>,
        tpu.vector_store %arg9[%parallel_loop3A_320, %parallel_loop3A_321], %parallel_loop3A_319 {strides = array<i32>} : memref<80x128xf32, #tpu.memory_space<vmem>>, vector<16xf32>,
        %parallel_loop3A_323 = vector.extract_strided_slice %parallel_loop3A_252 {offsets = [7], sizes = [1], strides = [1]} : vector<16xf32> to vector<1xf32>
        %parallel_loop3A_324 = vector.extract %parallel_loop3A_323[0] : f32 from vector<1xf32>
        %parallel_loop3A_325 = vector.broadcast %parallel_loop3A_324 : f32 to vector<16xf32>
        %parallel_loop3A_326 = arith.index_cast %parallel_loop3A_84 : i32 to index
        %parallel_loop3A_327 = arith.constant 240 : index
        %parallel_loop3A_328 = tpu.vector_load %arg7[%parallel_loop3A_326, %parallel_loop3A_327] {strides = array<i32>} : memref<80x256xf32, #tpu.memory_space<vmem>>, vector<16xf32>,
        %parallel_loop3A_329 = arith.mulf %parallel_loop3A_328, %parallel_loop3A_325 : vector<16xf32>
        %parallel_loop3A_330 = arith.index_cast %parallel_loop3A_84 : i32 to index
        %parallel_loop3A_331 = arith.constant 112 : index
        %parallel_loop3A_332 = tpu.vector_load %arg9[%parallel_loop3A_330, %parallel_loop3A_331] {strides = array<i32>} : memref<80x128xf32, #tpu.memory_space<vmem>>, vector<16xf32>,
        tpu.vector_store %arg9[%parallel_loop3A_330, %parallel_loop3A_331], %parallel_loop3A_329 {strides = array<i32>} : memref<80x128xf32, #tpu.memory_space<vmem>>, vector<16xf32>,
        %parallel_loop3A_333 = arith.constant 16 : i32
        %parallel_loop3A_334 = arith.muli %parallel_loop3A_84, %parallel_loop3A_333 : i32
        %parallel_loop3A_335 = arith.index_cast %parallel_loop3A_334 : i32 to index
        %parallel_loop3A_336 = tpu.vector_load %arg13[%parallel_loop3A_335] {strides = array<i32>} : memref<1280xf32, #tpu.memory_space<vmem>>, vector<16xf32>,
        tpu.vector_store %arg13[%parallel_loop3A_335], %parallel_loop3A_252 {strides = array<i32>} : memref<1280xf32, #tpu.memory_space<vmem>>, vector<16xf32>,
      } {sc.loop_unroll_factor = 1 : i64, sc.parallel_access}
      %add3A_74 = arith.constant 80 : i32
      %add3A_75 = arith.addi %add3A_49, %add3A_74 : i32
      %min3A = arith.constant 319920 : i32
      %min3A_76 = arith.minsi %add3A_75, %min3A : i32
      %mul3A_77 = arith.constant 16 : i32
      %mul3A_78 = arith.muli %min3A_76, %mul3A_77 : i32
      %dma_start3A_79 = tpu.memref_slice %arg4[%mul3A_78] : memref<5120000xf32, #tpu.memory_space<hbm>> -> memref<1280xf32, #tpu.memory_space<hbm>>
      %dma_start3A_80 = tpu.memref_slice %arg4[%mul3A_78] : memref<5120000xf32, #tpu.memory_space<hbm>> -> memref<1280xf32, #tpu.memory_space<hbm>>
      tpu.enqueue_dma source(%dma_start3A_80 : memref<1280xf32, #tpu.memory_space<hbm>>) target(%arg12 : memref<1280xf32, #tpu.memory_space<vmem>>) target_semaphore(%arg18 : memref<!tpu.dma_semaphore, #tpu.memory_space<semaphore_mem>>)
      "tpu.region"() ({
        %run_scoped3A = tpu.sem_alloc : memref<!tpu.dma_semaphore, #tpu.memory_space<semaphore_mem>>
        %dma_start3A_84 = arith.constant 0 : i32
        %dma_start3A_85 = arith.constant 0 : i32
        %dma_start3A_86 = tpu.memref_slice %arg14[%dma_start3A_84, %dma_start3A_85] : memref<10240x128xf32, #tpu.memory_space<vmem_shared>> -> memref<10240x128xf32, #tpu.memory_space<vmem_shared>>
        tpu.enqueue_indirect_dma source(%arg9 : memref<80x128xf32, #tpu.memory_space<vmem>>) target(%dma_start3A_86 : memref<10240x128xf32, #tpu.memory_space<vmem_shared>>) offsets(%arg11 : memref<80xi32, #tpu.memory_space<vmem>>) semaphore(%run_scoped3A : memref<!tpu.dma_semaphore, #tpu.memory_space<semaphore_mem>>) {add = true}
        %dma_wait3A_87 = arith.constant 0 : i32
        %dma_wait3A_88 = arith.constant 0 : i32
        %dma_wait3A_89 = tpu.memref_slice %arg14[%dma_wait3A_87, %dma_wait3A_88] : memref<10240x128xf32, #tpu.memory_space<vmem_shared>> -> memref<10240x128xf32, #tpu.memory_space<vmem_shared>>
        tpu.wait_indirect_dma semaphore(%run_scoped3A : memref<!tpu.dma_semaphore, #tpu.memory_space<semaphore_mem>>) src(%arg9 : memref<80x128xf32, #tpu.memory_space<vmem>>) dst(%dma_wait3A_89 : memref<10240x128xf32, #tpu.memory_space<vmem_shared>>)
        tpu.yield
      }) : () -> ()
      %parallel_loop3A_81 = arith.constant 0 : i32
      %parallel_loop3A_82 = arith.constant 80 : i32
      %parallel_loop3A_83 = arith.constant 1 : i32
      scf.for %parallel_loop3A_84 = %parallel_loop3A_81 to %parallel_loop3A_82 step %parallel_loop3A_83  : i32 {
        %parallel_loop3A_85 = arith.constant 4 : i32
        %parallel_loop3A_86 = arith.shrui %parallel_loop3A_84, %parallel_loop3A_85 : i32
        %parallel_loop3A_87 = arith.constant 15 : i32
        %parallel_loop3A_88 = arith.andi %parallel_loop3A_84, %parallel_loop3A_87 : i32
        %parallel_loop3A_89 = arith.constant 16 : i32
        %parallel_loop3A_90 = arith.muli %parallel_loop3A_86, %parallel_loop3A_89 : i32
        %parallel_loop3A_91 = arith.index_cast %parallel_loop3A_90 : i32 to index
        %parallel_loop3A_92 = tpu.vector_load %arg11[%parallel_loop3A_91] {strides = array<i32>} : memref<80xi32, #tpu.memory_space<vmem>>, vector<16xi32>,
        %parallel_loop3A_93 = vector.broadcast %parallel_loop3A_88 : i32 to vector<16xi32>
        %parallel_loop3A_94 = vector.shape_cast %parallel_loop3A_93 : vector<16xi32> to vector<16x1xi32>
        %parallel_loop3A_95 = vector.shape_cast %parallel_loop3A_94 : vector<16x1xi32> to vector<16xi32>
        %parallel_loop3A_96 = tpu.dynamic_gather %parallel_loop3A_92[%parallel_loop3A_95] in [0] : vector<16xi32>, vector<16xi32> -> vector<16xi32>
        %parallel_loop3A_97 = arith.constant 1 : i32
        %parallel_loop3A_98 = vector.broadcast %parallel_loop3A_97 : i32 to vector<16xi32>
        %parallel_loop3A_99 = arith.andi %parallel_loop3A_96, %parallel_loop3A_98 : vector<16xi32>
        %parallel_loop3A_100 = arith.constant 8 : i32
        %parallel_loop3A_101 = vector.broadcast %parallel_loop3A_100 : i32 to vector<16xi32>
        %parallel_loop3A_102 = arith.muli %parallel_loop3A_99, %parallel_loop3A_101 : vector<16xi32>
        %parallel_loop3A_103 = vector.extract_strided_slice %parallel_loop3A_96 {offsets = [0], sizes = [1], strides = [1]} : vector<16xi32> to vector<1xi32>
        %parallel_loop3A_104 = vector.extract %parallel_loop3A_103[0] : i32 from vector<1xi32>
        %parallel_loop3A_105 = arith.constant 1 : i32
        %parallel_loop3A_106 = arith.shrui %parallel_loop3A_104, %parallel_loop3A_105 : i32
        %parallel_loop3A_107 = arith.constant 7 : i32
        %parallel_loop3A_108 = arith.andi %parallel_loop3A_106, %parallel_loop3A_107 : i32
        %parallel_loop3A_109 = arith.constant 16 : i32
        %parallel_loop3A_110 = arith.muli %parallel_loop3A_108, %parallel_loop3A_109 : i32
        %parallel_loop3A_111 = arith.constant 16 : i32
        %parallel_loop3A_112 = arith.muli %parallel_loop3A_84, %parallel_loop3A_111 : i32
        %parallel_loop3A_113 = arith.index_cast %parallel_loop3A_112 : i32 to index
        %parallel_loop3A_114 = tpu.vector_load %arg13[%parallel_loop3A_113] {strides = array<i32>} : memref<1280xf32, #tpu.memory_space<vmem>>, vector<16xf32>,
        %parallel_loop3A_115 = arith.subi %iota3A, %parallel_loop3A_102 : vector<16xi32>
        %parallel_loop3A_116 = arith.constant 15 : i32
        %parallel_loop3A_117 = vector.broadcast %parallel_loop3A_116 : i32 to vector<16xi32>
        %parallel_loop3A_118 = arith.andi %parallel_loop3A_115, %parallel_loop3A_117 : vector<16xi32>
        %parallel_loop3A_119 = arith.cmpi sge, %iota3A, %parallel_loop3A_102 : vector<16xi32>
        %parallel_loop3A_120 = arith.constant 8 : i32
        %parallel_loop3A_121 = vector.broadcast %parallel_loop3A_120 : i32 to vector<16xi32>
        %parallel_loop3A_122 = arith.addi %parallel_loop3A_102, %parallel_loop3A_121 : vector<16xi32>
        %parallel_loop3A_123 = arith.cmpi slt, %iota3A, %parallel_loop3A_122 : vector<16xi32>
        %parallel_loop3A_124 = arith.andi %parallel_loop3A_119, %parallel_loop3A_123 : vector<16xi1>
        %parallel_loop3A_125 = vector.shape_cast %parallel_loop3A_118 : vector<16xi32> to vector<16x1xi32>
        %parallel_loop3A_126 = vector.shape_cast %parallel_loop3A_125 : vector<16x1xi32> to vector<16xi32>
        %parallel_loop3A_127 = tpu.dynamic_gather %parallel_loop3A_114[%parallel_loop3A_126] in [0] : vector<16xf32>, vector<16xi32> -> vector<16xf32>
        %parallel_loop3A_128 = arith.constant 0.000000e+00 : f32
        %parallel_loop3A_129 = vector.broadcast %parallel_loop3A_128 : f32 to vector<16xf32>
        %parallel_loop3A_130 = arith.select %parallel_loop3A_124, %parallel_loop3A_127, %parallel_loop3A_129 : vector<16xi1>, vector<16xf32>
        %parallel_loop3A_131 = arith.index_cast %parallel_loop3A_84 : i32 to index
        %parallel_loop3A_132 = arith.constant 0 : index
        %parallel_loop3A_133 = tpu.vector_load %arg9[%parallel_loop3A_131, %parallel_loop3A_132] {strides = array<i32>} : memref<80x128xf32, #tpu.memory_space<vmem>>, vector<16xf32>,
        tpu.vector_store %arg9[%parallel_loop3A_131, %parallel_loop3A_132], %broadcast_in_dim3A_5 {strides = array<i32>} : memref<80x128xf32, #tpu.memory_space<vmem>>, vector<16xf32>,
        %parallel_loop3A_134 = arith.index_cast %parallel_loop3A_84 : i32 to index
        %parallel_loop3A_135 = arith.constant 16 : index
        %parallel_loop3A_136 = tpu.vector_load %arg9[%parallel_loop3A_134, %parallel_loop3A_135] {strides = array<i32>} : memref<80x128xf32, #tpu.memory_space<vmem>>, vector<16xf32>,
        tpu.vector_store %arg9[%parallel_loop3A_134, %parallel_loop3A_135], %broadcast_in_dim3A_5 {strides = array<i32>} : memref<80x128xf32, #tpu.memory_space<vmem>>, vector<16xf32>,
        %parallel_loop3A_137 = arith.index_cast %parallel_loop3A_84 : i32 to index
        %parallel_loop3A_138 = arith.constant 32 : index
        %parallel_loop3A_139 = tpu.vector_load %arg9[%parallel_loop3A_137, %parallel_loop3A_138] {strides = array<i32>} : memref<80x128xf32, #tpu.memory_space<vmem>>, vector<16xf32>,
        tpu.vector_store %arg9[%parallel_loop3A_137, %parallel_loop3A_138], %broadcast_in_dim3A_5 {strides = array<i32>} : memref<80x128xf32, #tpu.memory_space<vmem>>, vector<16xf32>,
        %parallel_loop3A_140 = arith.index_cast %parallel_loop3A_84 : i32 to index
        %parallel_loop3A_141 = arith.constant 48 : index
        %parallel_loop3A_142 = tpu.vector_load %arg9[%parallel_loop3A_140, %parallel_loop3A_141] {strides = array<i32>} : memref<80x128xf32, #tpu.memory_space<vmem>>, vector<16xf32>,
        tpu.vector_store %arg9[%parallel_loop3A_140, %parallel_loop3A_141], %broadcast_in_dim3A_5 {strides = array<i32>} : memref<80x128xf32, #tpu.memory_space<vmem>>, vector<16xf32>,
        %parallel_loop3A_143 = arith.index_cast %parallel_loop3A_84 : i32 to index
        %parallel_loop3A_144 = arith.constant 64 : index
        %parallel_loop3A_145 = tpu.vector_load %arg9[%parallel_loop3A_143, %parallel_loop3A_144] {strides = array<i32>} : memref<80x128xf32, #tpu.memory_space<vmem>>, vector<16xf32>,
        tpu.vector_store %arg9[%parallel_loop3A_143, %parallel_loop3A_144], %broadcast_in_dim3A_5 {strides = array<i32>} : memref<80x128xf32, #tpu.memory_space<vmem>>, vector<16xf32>,
        %parallel_loop3A_146 = arith.index_cast %parallel_loop3A_84 : i32 to index
        %parallel_loop3A_147 = arith.constant 80 : index
        %parallel_loop3A_148 = tpu.vector_load %arg9[%parallel_loop3A_146, %parallel_loop3A_147] {strides = array<i32>} : memref<80x128xf32, #tpu.memory_space<vmem>>, vector<16xf32>,
        tpu.vector_store %arg9[%parallel_loop3A_146, %parallel_loop3A_147], %broadcast_in_dim3A_5 {strides = array<i32>} : memref<80x128xf32, #tpu.memory_space<vmem>>, vector<16xf32>,
        %parallel_loop3A_149 = arith.index_cast %parallel_loop3A_84 : i32 to index
        %parallel_loop3A_150 = arith.constant 96 : index
        %parallel_loop3A_151 = tpu.vector_load %arg9[%parallel_loop3A_149, %parallel_loop3A_150] {strides = array<i32>} : memref<80x128xf32, #tpu.memory_space<vmem>>, vector<16xf32>,
        tpu.vector_store %arg9[%parallel_loop3A_149, %parallel_loop3A_150], %broadcast_in_dim3A_5 {strides = array<i32>} : memref<80x128xf32, #tpu.memory_space<vmem>>, vector<16xf32>,
        %parallel_loop3A_152 = arith.index_cast %parallel_loop3A_84 : i32 to index
        %parallel_loop3A_153 = arith.constant 112 : index
        %parallel_loop3A_154 = tpu.vector_load %arg9[%parallel_loop3A_152, %parallel_loop3A_153] {strides = array<i32>} : memref<80x128xf32, #tpu.memory_space<vmem>>, vector<16xf32>,
        tpu.vector_store %arg9[%parallel_loop3A_152, %parallel_loop3A_153], %broadcast_in_dim3A_5 {strides = array<i32>} : memref<80x128xf32, #tpu.memory_space<vmem>>, vector<16xf32>,
        %parallel_loop3A_155 = arith.index_cast %parallel_loop3A_84 : i32 to index
        %parallel_loop3A_156 = arith.index_cast %parallel_loop3A_110 : i32 to index
        %parallel_loop3A_157 = tpu.vector_load %arg9[%parallel_loop3A_155, %parallel_loop3A_156] {strides = array<i32>} : memref<80x128xf32, #tpu.memory_space<vmem>>, vector<16xf32>,
        tpu.vector_store %arg9[%parallel_loop3A_155, %parallel_loop3A_156], %parallel_loop3A_130 {strides = array<i32>} : memref<80x128xf32, #tpu.memory_space<vmem>>, vector<16xf32>,
      } {sc.loop_unroll_factor = 1 : i64, sc.parallel_access}
      "tpu.region"() ({
        %run_scoped3A = tpu.sem_alloc : memref<!tpu.dma_semaphore, #tpu.memory_space<semaphore_mem>>
        %dma_start3A_84 = arith.constant 0 : i32
        %dma_start3A_85 = arith.constant 0 : i32
        %dma_start3A_86 = tpu.memref_slice %arg15[%dma_start3A_84, %dma_start3A_85] : memref<640x128xf32, #tpu.memory_space<vmem_shared>> -> memref<640x128xf32, #tpu.memory_space<vmem_shared>>
        tpu.enqueue_indirect_dma source(%arg9 : memref<80x128xf32, #tpu.memory_space<vmem>>) target(%dma_start3A_86 : memref<640x128xf32, #tpu.memory_space<vmem_shared>>) offsets(%arg10 : memref<80xi32, #tpu.memory_space<vmem>>) semaphore(%run_scoped3A : memref<!tpu.dma_semaphore, #tpu.memory_space<semaphore_mem>>) {add = true}
        %dma_wait3A_87 = arith.constant 0 : i32
        %dma_wait3A_88 = arith.constant 0 : i32
        %dma_wait3A_89 = tpu.memref_slice %arg15[%dma_wait3A_87, %dma_wait3A_88] : memref<640x128xf32, #tpu.memory_space<vmem_shared>> -> memref<640x128xf32, #tpu.memory_space<vmem_shared>>
        tpu.wait_indirect_dma semaphore(%run_scoped3A : memref<!tpu.dma_semaphore, #tpu.memory_space<semaphore_mem>>) src(%arg9 : memref<80x128xf32, #tpu.memory_space<vmem>>) dst(%dma_wait3A_89 : memref<640x128xf32, #tpu.memory_space<vmem_shared>>)
        tpu.yield
      }) : () -> ()
    }
    %scan3A_37 = arith.constant 125 : i32
    %dma_wait3A = arith.constant 0 : i32
    %dma_wait3A_38 = tpu.memref_slice %arg4[%dma_wait3A] : memref<5120000xf32, #tpu.memory_space<hbm>> -> memref<1280xf32, #tpu.memory_space<hbm>>
    %dma_wait3A_39 = arith.constant 0 : i32
    %dma_wait3A_40 = tpu.memref_slice %arg4[%dma_wait3A_39] : memref<5120000xf32, #tpu.memory_space<hbm>> -> memref<1280xf32, #tpu.memory_space<hbm>>
    tpu.wait_dma2 semaphore(%arg18 : memref<!tpu.dma_semaphore, #tpu.memory_space<semaphore_mem>>) src(%dma_wait3A_40 : memref<1280xf32, #tpu.memory_space<hbm>>) dst(%arg12 : memref<1280xf32, #tpu.memory_space<vmem>>)
    %barrier3A_41 = arith.constant 0 : index
    tpu.barrier barrier_id(%barrier3A_41)
    "tpu.region"() ({
      %run_scoped3A = tpu.sem_alloc : memref<!tpu.dma_semaphore, #tpu.memory_space<semaphore_mem>>
      %dma_start3A_46 = arith.constant 0 : i32
      %dma_start3A_47 = tpu.memref_slice %arg5[%arg0, %mul3A_4, %dma_start3A_46] : memref<2x10240x128xf32, #tpu.memory_space<hbm>> -> memref<1x640x128xf32, #tpu.memory_space<hbm>>
      %dma_start3A_48 = tpu.memref_squeeze %dma_start3A_47 : memref<1x640x128xf32, #tpu.memory_space<hbm>> -> memref<640x128xf32, #tpu.memory_space<hbm>>
      %dma_start3A_49 = arith.constant 0 : i32
      %dma_start3A_50 = tpu.memref_slice %arg14[%mul3A_4, %dma_start3A_49] : memref<10240x128xf32, #tpu.memory_space<vmem_shared>> -> memref<640x128xf32, #tpu.memory_space<vmem_shared>>
      tpu.enqueue_dma source(%dma_start3A_50 : memref<640x128xf32, #tpu.memory_space<vmem_shared>>) target(%dma_start3A_48 : memref<640x128xf32, #tpu.memory_space<hbm>>) target_semaphore(%run_scoped3A : memref<!tpu.dma_semaphore, #tpu.memory_space<semaphore_mem>>)
      %dma_wait3A_51 = arith.constant 0 : i32
      %dma_wait3A_52 = tpu.memref_slice %arg5[%arg0, %mul3A_4, %dma_wait3A_51] : memref<2x10240x128xf32, #tpu.memory_space<hbm>> -> memref<1x640x128xf32, #tpu.memory_space<hbm>>
      %dma_wait3A_53 = tpu.memref_squeeze %dma_wait3A_52 : memref<1x640x128xf32, #tpu.memory_space<hbm>> -> memref<640x128xf32, #tpu.memory_space<hbm>>
      %dma_wait3A_54 = arith.constant 0 : i32
      %dma_wait3A_55 = tpu.memref_slice %arg14[%mul3A_4, %dma_wait3A_54] : memref<10240x128xf32, #tpu.memory_space<vmem_shared>> -> memref<640x128xf32, #tpu.memory_space<vmem_shared>>
      tpu.wait_dma2 semaphore(%run_scoped3A : memref<!tpu.dma_semaphore, #tpu.memory_space<semaphore_mem>>) src(%dma_wait3A_55 : memref<640x128xf32, #tpu.memory_space<vmem_shared>>) dst(%dma_wait3A_53 : memref<640x128xf32, #tpu.memory_space<hbm>>)
      tpu.yield
    }) : () -> ()
    %mul3A_42 = arith.constant 40 : i32
    %mul3A_43 = arith.muli %arg1, %mul3A_42 : i32
    %mul3A_44 = arith.constant 40 : i32
    %mul3A_45 = arith.muli %arg1, %mul3A_44 : i32
    "tpu.region"() ({
      %run_scoped3A = tpu.sem_alloc : memref<!tpu.dma_semaphore, #tpu.memory_space<semaphore_mem>>
      %dma_start3A_46 = arith.constant 0 : i32
      %dma_start3A_47 = tpu.memref_slice %arg6[%arg0, %mul3A_45, %dma_start3A_46] : memref<2x640x128xf32, #tpu.memory_space<hbm>> -> memref<1x40x128xf32, #tpu.memory_space<hbm>>
      %dma_start3A_48 = tpu.memref_squeeze %dma_start3A_47 : memref<1x40x128xf32, #tpu.memory_space<hbm>> -> memref<40x128xf32, #tpu.memory_space<hbm>>
      %dma_start3A_49 = arith.constant 0 : i32
      %dma_start3A_50 = tpu.memref_slice %arg15[%mul3A_43, %dma_start3A_49] : memref<640x128xf32, #tpu.memory_space<vmem_shared>> -> memref<40x128xf32, #tpu.memory_space<vmem_shared>>
      tpu.enqueue_dma source(%dma_start3A_50 : memref<40x128xf32, #tpu.memory_space<vmem_shared>>) target(%dma_start3A_48 : memref<40x128xf32, #tpu.memory_space<hbm>>) target_semaphore(%run_scoped3A : memref<!tpu.dma_semaphore, #tpu.memory_space<semaphore_mem>>)
      %dma_wait3A_51 = arith.constant 0 : i32
      %dma_wait3A_52 = tpu.memref_slice %arg6[%arg0, %mul3A_45, %dma_wait3A_51] : memref<2x640x128xf32, #tpu.memory_space<hbm>> -> memref<1x40x128xf32, #tpu.memory_space<hbm>>
      %dma_wait3A_53 = tpu.memref_squeeze %dma_wait3A_52 : memref<1x40x128xf32, #tpu.memory_space<hbm>> -> memref<40x128xf32, #tpu.memory_space<hbm>>
      %dma_wait3A_54 = arith.constant 0 : i32
      %dma_wait3A_55 = tpu.memref_slice %arg15[%mul3A_43, %dma_wait3A_54] : memref<640x128xf32, #tpu.memory_space<vmem_shared>> -> memref<40x128xf32, #tpu.memory_space<vmem_shared>>
      tpu.wait_dma2 semaphore(%run_scoped3A : memref<!tpu.dma_semaphore, #tpu.memory_space<semaphore_mem>>) src(%dma_wait3A_55 : memref<40x128xf32, #tpu.memory_space<vmem_shared>>) dst(%dma_wait3A_53 : memref<40x128xf32, #tpu.memory_space<hbm>>)
      tpu.yield
    }) : () -> ()
    return
  }
}

module attributes {stable_mosaic.version = 14 : i64} {
  func.func @_ebias_body(%arg0: i32, %arg1: memref<2000x128xf32, #tpu.memory_space<vmem>>, %arg2: memref<8x128xf32, #tpu.memory_space<vmem>>, %arg3: memref<1x8xf32, #tpu.memory_space<vmem>>, %arg4: memref<2000x1xi32, #tpu.memory_space<vmem>>, %arg5: memref<2000x1xi32, #tpu.memory_space<vmem>>, %arg6: memref<2000x16xf32, #tpu.memory_space<vmem>>) attributes {dimension_semantics = [#tpu.dimension_semantics<arbitrary>], iteration_bounds = array<i64: 160>, scalar_prefetch = 0 : i64, scratch_operands = 0 : i64, tpu.core_type = #tpu.core_type<tc>, window_params = [{transform_indices = @transform_0, window_bounds = array<i64: 2000, 128>}, {pipeline_mode = #tpu.pipeline_mode<synchronous>, transform_indices = @transform_1, window_bounds = array<i64: 8, 128>}, {pipeline_mode = #tpu.pipeline_mode<synchronous>, transform_indices = @transform_2, window_bounds = array<i64: 1, 8>}, {transform_indices = @transform_3, window_bounds = array<i64: 2000, 1>}, {transform_indices = @transform_4, window_bounds = array<i64: 2000, 1>}, {transform_indices = @transform_5, window_bounds = array<i64: 2000, 16>}]} {
    %get3A = arith.constant 0 : index
    %get3A_0 = arith.constant 0 : index
    %get3A_1 = vector.load %arg1[%get3A, %get3A_0] : memref<2000x128xf32, #tpu.memory_space<vmem>>, vector<2000x128xf32>
    %get3A_2 = arith.constant 0 : index
    %get3A_3 = arith.constant 0 : index
    %get3A_4 = vector.load %arg2[%get3A_2, %get3A_3] : memref<8x128xf32, #tpu.memory_space<vmem>>, vector<8x128xf32>
    %dot_general3A = arith.constant dense<0.000000e+00> : vector<2000x8xf32>
    %dot_general3A_5 = tpu.matmul %get3A_1, %get3A_4, %dot_general3A {dimension_numbers = #tpu.dot_dimension_numbers<[1], [1], [0], [0], [0, 0, 1, 0], [], []>, transpose_lhs_hint = false} : vector<2000x128xf32>, vector<8x128xf32>, vector<2000x8xf32> -> vector<2000x8xf32>
    %get3A_6 = arith.constant 0 : index
    %get3A_7 = arith.constant 0 : index
    %get3A_8 = vector.load %arg3[%get3A_6, %get3A_7] : memref<1x8xf32, #tpu.memory_space<vmem>>, vector<1x8xf32>
    %add3A = vector.broadcast %get3A_8 : vector<1x8xf32> to vector<2000x8xf32>
    %add3A_9 = arith.addf %dot_general3A_5, %add3A : vector<2000x8xf32>
    %get3A_10 = arith.constant 0 : index
    %get3A_11 = arith.constant 0 : index
    %get3A_12 = vector.load %arg4[%get3A_10, %get3A_11] : memref<2000x1xi32, #tpu.memory_space<vmem>>, vector<2000x1xi32>
    %bitcast_convert_type3A = tpu.bitcast %get3A_12 : vector<2000x1xi32> -> vector<2000x1xf32>
    %get3A_13 = arith.constant 0 : index
    %get3A_14 = arith.constant 0 : index
    %get3A_15 = vector.load %arg5[%get3A_13, %get3A_14] : memref<2000x1xi32, #tpu.memory_space<vmem>>, vector<2000x1xi32>
    %bitcast_convert_type3A_16 = tpu.bitcast %get3A_15 : vector<2000x1xi32> -> vector<2000x1xf32>
    %broadcast_in_dim3A = arith.constant 0.000000e+00 : f32
    %broadcast_in_dim3A_17 = vector.broadcast %broadcast_in_dim3A : f32 to vector<2000x6xf32>
    %concatenate3A = tpu.concatenate %add3A_9, %bitcast_convert_type3A, %bitcast_convert_type3A_16, %broadcast_in_dim3A_17 in 1 : vector<2000x8xf32>, vector<2000x1xf32>, vector<2000x1xf32>, vector<2000x6xf32> -> vector<2000x16xf32>
    %swap3A = arith.constant 0 : index
    %swap3A_18 = arith.constant 0 : index
    %swap3A_19 = vector.load %arg6[%swap3A, %swap3A_18] : memref<2000x16xf32, #tpu.memory_space<vmem>>, vector<2000x16xf32>
    tpu.vector_store %arg6[%swap3A, %swap3A_18], %concatenate3A {strides = array<i32>} : memref<2000x16xf32, #tpu.memory_space<vmem>>, vector<2000x16xf32>,
    return
  }
  func.func @transform_0(%arg0: i32) -> (i32, i32) {
    %c0_i32 = arith.constant 0 : i32
    %c0_i32_0 = arith.constant 0 : i32
    return %arg0, %c0_i32 : i32, i32
  }
  func.func @transform_1(%arg0: i32) -> (i32, i32) {
    %c0_i32 = arith.constant 0 : i32
    %c0_i32_0 = arith.constant 0 : i32
    %c0_i32_1 = arith.constant 0 : i32
    return %c0_i32, %c0_i32_0 : i32, i32
  }
  func.func @transform_2(%arg0: i32) -> (i32, i32) {
    %c0_i32 = arith.constant 0 : i32
    %c0_i32_0 = arith.constant 0 : i32
    %c0_i32_1 = arith.constant 0 : i32
    return %c0_i32, %c0_i32_0 : i32, i32
  }
  func.func @transform_3(%arg0: i32) -> (i32, i32) {
    %c0_i32 = arith.constant 0 : i32
    %c0_i32_0 = arith.constant 0 : i32
    return %arg0, %c0_i32 : i32, i32
  }
  func.func @transform_4(%arg0: i32) -> (i32, i32) {
    %c0_i32 = arith.constant 0 : i32
    %c0_i32_0 = arith.constant 0 : i32
    return %arg0, %c0_i32 : i32, i32
  }
  func.func @transform_5(%arg0: i32) -> (i32, i32) {
    %c0_i32 = arith.constant 0 : i32
    %c0_i32_0 = arith.constant 0 : i32
    return %arg0, %c0_i32 : i32, i32
  }
}

module attributes {stable_mosaic.version = 14 : i64} {
  func.func @_qkv_body(%arg0: i32, %arg1: memref<400x128xf32, #tpu.memory_space<vmem>>, %arg2: memref<128x128xf32, #tpu.memory_space<vmem>>, %arg3: memref<1x128xf32, #tpu.memory_space<vmem>>, %arg4: memref<128x128xf32, #tpu.memory_space<vmem>>, %arg5: memref<1x128xf32, #tpu.memory_space<vmem>>, %arg6: memref<128x128xf32, #tpu.memory_space<vmem>>, %arg7: memref<1x128xf32, #tpu.memory_space<vmem>>, %arg8: memref<1x128xf32, #tpu.memory_space<vmem>>, %arg9: memref<1x128xf32, #tpu.memory_space<vmem>>, %arg10: memref<400x128xf32, #tpu.memory_space<vmem>>, %arg11: memref<400x256xf32, #tpu.memory_space<vmem>>) attributes {dimension_semantics = [#tpu.dimension_semantics<arbitrary>], iteration_bounds = array<i64: 25>, scalar_prefetch = 0 : i64, scratch_operands = 0 : i64, tpu.core_type = #tpu.core_type<tc>, window_params = [{transform_indices = @transform_0, window_bounds = array<i64: 400, 128>}, {pipeline_mode = #tpu.pipeline_mode<synchronous>, transform_indices = @transform_1, window_bounds = array<i64: 128, 128>}, {pipeline_mode = #tpu.pipeline_mode<synchronous>, transform_indices = @transform_2, window_bounds = array<i64: 1, 128>}, {pipeline_mode = #tpu.pipeline_mode<synchronous>, transform_indices = @transform_3, window_bounds = array<i64: 128, 128>}, {pipeline_mode = #tpu.pipeline_mode<synchronous>, transform_indices = @transform_4, window_bounds = array<i64: 1, 128>}, {pipeline_mode = #tpu.pipeline_mode<synchronous>, transform_indices = @transform_5, window_bounds = array<i64: 128, 128>}, {pipeline_mode = #tpu.pipeline_mode<synchronous>, transform_indices = @transform_6, window_bounds = array<i64: 1, 128>}, {pipeline_mode = #tpu.pipeline_mode<synchronous>, transform_indices = @transform_7, window_bounds = array<i64: 1, 128>}, {pipeline_mode = #tpu.pipeline_mode<synchronous>, transform_indices = @transform_8, window_bounds = array<i64: 1, 128>}, {transform_indices = @transform_9, window_bounds = array<i64: 400, 128>}, {transform_indices = @transform_10, window_bounds = array<i64: 400, 256>}]} {
    %get3A = arith.constant 0 : index
    %get3A_0 = arith.constant 0 : index
    %get3A_1 = vector.load %arg1[%get3A, %get3A_0] : memref<400x128xf32, #tpu.memory_space<vmem>>, vector<400x128xf32>
    %get3A_2 = arith.constant 0 : index
    %get3A_3 = arith.constant 0 : index
    %get3A_4 = vector.load %arg8[%get3A_2, %get3A_3] : memref<1x128xf32, #tpu.memory_space<vmem>>, vector<1x128xf32>
    %get3A_5 = arith.constant 0 : index
    %get3A_6 = arith.constant 0 : index
    %get3A_7 = vector.load %arg9[%get3A_5, %get3A_6] : memref<1x128xf32, #tpu.memory_space<vmem>>, vector<1x128xf32>
    %reduce_sum3A = arith.constant dense<0.000000e+00> : vector<400xf32>
    %reduce_sum3A_8 = vector.multi_reduction <add>, %get3A_1, %reduce_sum3A [1] : vector<400x128xf32> to vector<400xf32>
    %broadcast_in_dim3A = vector.shape_cast %reduce_sum3A_8 : vector<400xf32> to vector<400x1xf32>
    %div3A = arith.constant 1.280000e+02 : f32
    %div3A_9 = vector.broadcast %div3A : f32 to vector<400x1xf32>
    %div3A_10 = arith.divf %broadcast_in_dim3A, %div3A_9 : vector<400x1xf32>
    %sub3A = vector.broadcast %div3A_10 : vector<400x1xf32> to vector<400x128xf32>
    %sub3A_11 = arith.subf %get3A_1, %sub3A : vector<400x128xf32>
    %sub3A_12 = vector.broadcast %div3A_10 : vector<400x1xf32> to vector<400x128xf32>
    %sub3A_13 = arith.subf %get3A_1, %sub3A_12 : vector<400x128xf32>
    %mul3A = arith.mulf %sub3A_11, %sub3A_13 : vector<400x128xf32>
    %reduce_sum3A_14 = arith.constant dense<0.000000e+00> : vector<400xf32>
    %reduce_sum3A_15 = vector.multi_reduction <add>, %mul3A, %reduce_sum3A_14 [1] : vector<400x128xf32> to vector<400xf32>
    %broadcast_in_dim3A_16 = vector.shape_cast %reduce_sum3A_15 : vector<400xf32> to vector<400x1xf32>
    %div3A_17 = arith.constant 1.280000e+02 : f32
    %div3A_18 = vector.broadcast %div3A_17 : f32 to vector<400x1xf32>
    %div3A_19 = arith.divf %broadcast_in_dim3A_16, %div3A_18 : vector<400x1xf32>
    %sub3A_20 = vector.broadcast %div3A_10 : vector<400x1xf32> to vector<400x128xf32>
    %sub3A_21 = arith.subf %get3A_1, %sub3A_20 : vector<400x128xf32>
    %add3A = arith.constant 9.99999974E-6 : f32
    %add3A_22 = vector.broadcast %add3A : f32 to vector<400x1xf32>
    %add3A_23 = arith.addf %div3A_19, %add3A_22 : vector<400x1xf32>
    %sqrt3A = math.sqrt %add3A_23 : vector<400x1xf32>
    %div3A_24 = vector.broadcast %sqrt3A : vector<400x1xf32> to vector<400x128xf32>
    %div3A_25 = arith.divf %sub3A_21, %div3A_24 : vector<400x128xf32>
    %mul3A_26 = vector.broadcast %get3A_4 : vector<1x128xf32> to vector<400x128xf32>
    %mul3A_27 = arith.mulf %div3A_25, %mul3A_26 : vector<400x128xf32>
    %add3A_28 = vector.broadcast %get3A_7 : vector<1x128xf32> to vector<400x128xf32>
    %add3A_29 = arith.addf %mul3A_27, %add3A_28 : vector<400x128xf32>
    %get3A_30 = arith.constant 0 : index
    %get3A_31 = arith.constant 0 : index
    %get3A_32 = vector.load %arg2[%get3A_30, %get3A_31] : memref<128x128xf32, #tpu.memory_space<vmem>>, vector<128x128xf32>
    %dot_general3A = arith.constant dense<0.000000e+00> : vector<400x128xf32>
    %dot_general3A_33 = tpu.matmul %add3A_29, %get3A_32, %dot_general3A {dimension_numbers = #tpu.dot_dimension_numbers<[1], [1], [0], [0], [0, 0, 1, 0], [], []>, transpose_lhs_hint = false} : vector<400x128xf32>, vector<128x128xf32>, vector<400x128xf32> -> vector<400x128xf32>
    %get3A_34 = arith.constant 0 : index
    %get3A_35 = arith.constant 0 : index
    %get3A_36 = vector.load %arg3[%get3A_34, %get3A_35] : memref<1x128xf32, #tpu.memory_space<vmem>>, vector<1x128xf32>
    %add3A_37 = vector.broadcast %get3A_36 : vector<1x128xf32> to vector<400x128xf32>
    %add3A_38 = arith.addf %dot_general3A_33, %add3A_37 : vector<400x128xf32>
    %get3A_39 = arith.constant 0 : index
    %get3A_40 = arith.constant 0 : index
    %get3A_41 = vector.load %arg4[%get3A_39, %get3A_40] : memref<128x128xf32, #tpu.memory_space<vmem>>, vector<128x128xf32>
    %dot_general3A_42 = arith.constant dense<0.000000e+00> : vector<400x128xf32>
    %dot_general3A_43 = tpu.matmul %add3A_29, %get3A_41, %dot_general3A_42 {dimension_numbers = #tpu.dot_dimension_numbers<[1], [1], [0], [0], [0, 0, 1, 0], [], []>, transpose_lhs_hint = false} : vector<400x128xf32>, vector<128x128xf32>, vector<400x128xf32> -> vector<400x128xf32>
    %get3A_44 = arith.constant 0 : index
    %get3A_45 = arith.constant 0 : index
    %get3A_46 = vector.load %arg5[%get3A_44, %get3A_45] : memref<1x128xf32, #tpu.memory_space<vmem>>, vector<1x128xf32>
    %add3A_47 = vector.broadcast %get3A_46 : vector<1x128xf32> to vector<400x128xf32>
    %add3A_48 = arith.addf %dot_general3A_43, %add3A_47 : vector<400x128xf32>
    %get3A_49 = arith.constant 0 : index
    %get3A_50 = arith.constant 0 : index
    %get3A_51 = vector.load %arg6[%get3A_49, %get3A_50] : memref<128x128xf32, #tpu.memory_space<vmem>>, vector<128x128xf32>
    %dot_general3A_52 = arith.constant dense<0.000000e+00> : vector<400x128xf32>
    %dot_general3A_53 = tpu.matmul %add3A_29, %get3A_51, %dot_general3A_52 {dimension_numbers = #tpu.dot_dimension_numbers<[1], [1], [0], [0], [0, 0, 1, 0], [], []>, transpose_lhs_hint = false} : vector<400x128xf32>, vector<128x128xf32>, vector<400x128xf32> -> vector<400x128xf32>
    %get3A_54 = arith.constant 0 : index
    %get3A_55 = arith.constant 0 : index
    %get3A_56 = vector.load %arg7[%get3A_54, %get3A_55] : memref<1x128xf32, #tpu.memory_space<vmem>>, vector<1x128xf32>
    %add3A_57 = vector.broadcast %get3A_56 : vector<1x128xf32> to vector<400x128xf32>
    %add3A_58 = arith.addf %dot_general3A_53, %add3A_57 : vector<400x128xf32>
    %mul3A_59 = arith.constant 2.500000e-01 : f32
    %mul3A_60 = vector.broadcast %mul3A_59 : f32 to vector<400x128xf32>
    %mul3A_61 = arith.mulf %add3A_38, %mul3A_60 : vector<400x128xf32>
    %swap3A = arith.constant 0 : index
    %swap3A_62 = arith.constant 0 : index
    %swap3A_63 = vector.load %arg10[%swap3A, %swap3A_62] : memref<400x128xf32, #tpu.memory_space<vmem>>, vector<400x128xf32>
    tpu.vector_store %arg10[%swap3A, %swap3A_62], %mul3A_61 {strides = array<i32>} : memref<400x128xf32, #tpu.memory_space<vmem>>, vector<400x128xf32>,
    %concatenate3A = tpu.concatenate %add3A_48, %add3A_58 in 1 : vector<400x128xf32>, vector<400x128xf32> -> vector<400x256xf32>
    %swap3A_64 = arith.constant 0 : index
    %swap3A_65 = arith.constant 0 : index
    %swap3A_66 = vector.load %arg11[%swap3A_64, %swap3A_65] : memref<400x256xf32, #tpu.memory_space<vmem>>, vector<400x256xf32>
    tpu.vector_store %arg11[%swap3A_64, %swap3A_65], %concatenate3A {strides = array<i32>} : memref<400x256xf32, #tpu.memory_space<vmem>>, vector<400x256xf32>,
    return
  }
  func.func @transform_0(%arg0: i32) -> (i32, i32) {
    %c0_i32 = arith.constant 0 : i32
    %c0_i32_0 = arith.constant 0 : i32
    return %arg0, %c0_i32 : i32, i32
  }
  func.func @transform_1(%arg0: i32) -> (i32, i32) {
    %c0_i32 = arith.constant 0 : i32
    %c0_i32_0 = arith.constant 0 : i32
    %c0_i32_1 = arith.constant 0 : i32
    return %c0_i32, %c0_i32_0 : i32, i32
  }
  func.func @transform_2(%arg0: i32) -> (i32, i32) {
    %c0_i32 = arith.constant 0 : i32
    %c0_i32_0 = arith.constant 0 : i32
    %c0_i32_1 = arith.constant 0 : i32
    return %c0_i32, %c0_i32_0 : i32, i32
  }
  func.func @transform_3(%arg0: i32) -> (i32, i32) {
    %c0_i32 = arith.constant 0 : i32
    %c0_i32_0 = arith.constant 0 : i32
    %c0_i32_1 = arith.constant 0 : i32
    return %c0_i32, %c0_i32_0 : i32, i32
  }
  func.func @transform_4(%arg0: i32) -> (i32, i32) {
    %c0_i32 = arith.constant 0 : i32
    %c0_i32_0 = arith.constant 0 : i32
    %c0_i32_1 = arith.constant 0 : i32
    return %c0_i32, %c0_i32_0 : i32, i32
  }
  func.func @transform_5(%arg0: i32) -> (i32, i32) {
    %c0_i32 = arith.constant 0 : i32
    %c0_i32_0 = arith.constant 0 : i32
    %c0_i32_1 = arith.constant 0 : i32
    return %c0_i32, %c0_i32_0 : i32, i32
  }
  func.func @transform_6(%arg0: i32) -> (i32, i32) {
    %c0_i32 = arith.constant 0 : i32
    %c0_i32_0 = arith.constant 0 : i32
    %c0_i32_1 = arith.constant 0 : i32
    return %c0_i32, %c0_i32_0 : i32, i32
  }
  func.func @transform_7(%arg0: i32) -> (i32, i32) {
    %c0_i32 = arith.constant 0 : i32
    %c0_i32_0 = arith.constant 0 : i32
    %c0_i32_1 = arith.constant 0 : i32
    return %c0_i32, %c0_i32_0 : i32, i32
  }
  func.func @transform_8(%arg0: i32) -> (i32, i32) {
    %c0_i32 = arith.constant 0 : i32
    %c0_i32_0 = arith.constant 0 : i32
    %c0_i32_1 = arith.constant 0 : i32
    return %c0_i32, %c0_i32_0 : i32, i32
  }
  func.func @transform_9(%arg0: i32) -> (i32, i32) {
    %c0_i32 = arith.constant 0 : i32
    %c0_i32_0 = arith.constant 0 : i32
    return %arg0, %c0_i32 : i32, i32
  }
  func.func @transform_10(%arg0: i32) -> (i32, i32) {
    %c0_i32 = arith.constant 0 : i32
    %c0_i32_0 = arith.constant 0 : i32
    return %arg0, %c0_i32 : i32, i32
  }
}

module attributes {stable_mosaic.version = 14 : i64} {
  func.func @_comb_body(%arg0: i32, %arg1: memref<2x400x128xf32, #tpu.memory_space<vmem>>, %arg2: memref<2x400x8xf32, #tpu.memory_space<vmem>>, %arg3: memref<400x128xf32, #tpu.memory_space<vmem>>, %arg4: memref<128x128xf32, #tpu.memory_space<vmem>>, %arg5: memref<1x128xf32, #tpu.memory_space<vmem>>, %arg6: memref<1x128xf32, #tpu.memory_space<vmem>>, %arg7: memref<1x128xf32, #tpu.memory_space<vmem>>, %arg8: memref<256x128xf32, #tpu.memory_space<vmem>>, %arg9: memref<1x256xf32, #tpu.memory_space<vmem>>, %arg10: memref<128x256xf32, #tpu.memory_space<vmem>>, %arg11: memref<1x128xf32, #tpu.memory_space<vmem>>, %arg12: memref<400x128xf32, #tpu.memory_space<vmem>>) attributes {dimension_semantics = [#tpu.dimension_semantics<arbitrary>], iteration_bounds = array<i64: 25>, scalar_prefetch = 0 : i64, scratch_operands = 0 : i64, tpu.core_type = #tpu.core_type<tc>, window_params = [{transform_indices = @transform_0, window_bounds = array<i64: 2, 400, 128>}, {transform_indices = @transform_1, window_bounds = array<i64: 2, 400, 8>}, {transform_indices = @transform_2, window_bounds = array<i64: 400, 128>}, {pipeline_mode = #tpu.pipeline_mode<synchronous>, transform_indices = @transform_3, window_bounds = array<i64: 128, 128>}, {pipeline_mode = #tpu.pipeline_mode<synchronous>, transform_indices = @transform_4, window_bounds = array<i64: 1, 128>}, {pipeline_mode = #tpu.pipeline_mode<synchronous>, transform_indices = @transform_5, window_bounds = array<i64: 1, 128>}, {pipeline_mode = #tpu.pipeline_mode<synchronous>, transform_indices = @transform_6, window_bounds = array<i64: 1, 128>}, {pipeline_mode = #tpu.pipeline_mode<synchronous>, transform_indices = @transform_7, window_bounds = array<i64: 256, 128>}, {pipeline_mode = #tpu.pipeline_mode<synchronous>, transform_indices = @transform_8, window_bounds = array<i64: 1, 256>}, {pipeline_mode = #tpu.pipeline_mode<synchronous>, transform_indices = @transform_9, window_bounds = array<i64: 128, 256>}, {pipeline_mode = #tpu.pipeline_mode<synchronous>, transform_indices = @transform_10, window_bounds = array<i64: 1, 128>}, {transform_indices = @transform_11, window_bounds = array<i64: 400, 128>}]} {
    %get3A = arith.constant 0 : index
    %get3A_0 = arith.constant 0 : index
    %get3A_1 = arith.constant 0 : index
    %get3A_2 = vector.load %arg1[%get3A, %get3A_0, %get3A_1] : memref<2x400x128xf32, #tpu.memory_space<vmem>>, vector<1x400x128xf32>
    %get3A_3 = vector.shape_cast %get3A_2 : vector<1x400x128xf32> to vector<400x128xf32>
    %get3A_4 = arith.constant 1 : index
    %get3A_5 = arith.constant 0 : index
    %get3A_6 = arith.constant 0 : index
    %get3A_7 = vector.load %arg1[%get3A_4, %get3A_5, %get3A_6] : memref<2x400x128xf32, #tpu.memory_space<vmem>>, vector<1x400x128xf32>
    %get3A_8 = vector.shape_cast %get3A_7 : vector<1x400x128xf32> to vector<400x128xf32>
    %add3A = arith.addf %get3A_3, %get3A_8 : vector<400x128xf32>
    %get3A_9 = arith.constant 0 : index
    %get3A_10 = arith.constant 0 : index
    %get3A_11 = arith.constant 0 : index
    %get3A_12 = vector.load %arg2[%get3A_9, %get3A_10, %get3A_11] : memref<2x400x8xf32, #tpu.memory_space<vmem>>, vector<1x400x8xf32>
    %get3A_13 = vector.shape_cast %get3A_12 : vector<1x400x8xf32> to vector<400x8xf32>
    %get3A_14 = arith.constant 1 : index
    %get3A_15 = arith.constant 0 : index
    %get3A_16 = arith.constant 0 : index
    %get3A_17 = vector.load %arg2[%get3A_14, %get3A_15, %get3A_16] : memref<2x400x8xf32, #tpu.memory_space<vmem>>, vector<1x400x8xf32>
    %get3A_18 = vector.shape_cast %get3A_17 : vector<1x400x8xf32> to vector<400x8xf32>
    %add3A_19 = arith.addf %get3A_13, %get3A_18 : vector<400x8xf32>
    %iota3A = tpu.iota {dimensions = array<i32: 1>} : vector<8x128xi32>
    %jit3A = arith.constant 16 : i32
    %div3A = vector.broadcast %jit3A : i32 to vector<8x128xi32>
    %div3A_20 = arith.divsi %iota3A, %div3A : vector<8x128xi32>
    %sign3A = arith.constant 0 : i32
    %sign3A_21 = vector.broadcast %sign3A : i32 to vector<8x128xi32>
    %sign3A_22 = arith.cmpi sgt, %iota3A, %sign3A_21 : vector<8x128xi32>
    %sign3A_23 = arith.extui %sign3A_22 : vector<8x128xi1> to vector<8x128xi32>
    %sign3A_24 = arith.constant 0 : i32
    %sign3A_25 = vector.broadcast %sign3A_24 : i32 to vector<8x128xi32>
    %sign3A_26 = arith.cmpi slt, %iota3A, %sign3A_25 : vector<8x128xi32>
    %sign3A_27 = arith.extui %sign3A_26 : vector<8x128xi1> to vector<8x128xi32>
    %sign3A_28 = arith.subi %sign3A_23, %sign3A_27 : vector<8x128xi32>
    %sign3A_29 = arith.constant 0 : i32
    %sign3A_30 = arith.cmpi sgt, %jit3A, %sign3A_29 : i32
    %sign3A_31 = arith.extui %sign3A_30 : i1 to i32
    %sign3A_32 = arith.constant 0 : i32
    %sign3A_33 = arith.cmpi slt, %jit3A, %sign3A_32 : i32
    %sign3A_34 = arith.extui %sign3A_33 : i1 to i32
    %sign3A_35 = arith.subi %sign3A_31, %sign3A_34 : i32
    %ne3A = vector.broadcast %sign3A_35 : i32 to vector<8x128xi32>
    %ne3A_36 = arith.cmpi ne, %sign3A_28, %ne3A : vector<8x128xi32>
    %rem3A = vector.broadcast %jit3A : i32 to vector<8x128xi32>
    %rem3A_37 = arith.remsi %iota3A, %rem3A : vector<8x128xi32>
    %ne3A_38 = arith.constant 0 : i32
    %ne3A_39 = vector.broadcast %ne3A_38 : i32 to vector<8x128xi32>
    %ne3A_40 = arith.cmpi ne, %rem3A_37, %ne3A_39 : vector<8x128xi32>
    %and3A = arith.andi %ne3A_36, %ne3A_40 : vector<8x128xi1>
    %sub3A = arith.constant 1 : i32
    %sub3A_41 = vector.broadcast %sub3A : i32 to vector<8x128xi32>
    %sub3A_42 = arith.subi %div3A_20, %sub3A_41 : vector<8x128xi32>
    %select_n3A = arith.select %and3A, %sub3A_42, %div3A_20 : vector<8x128xi1>, vector<8x128xi32>
    %iota3A_43 = tpu.iota {dimensions = array<i32: 0>} : vector<8x128xi32>
    %eq3A = arith.cmpi eq, %select_n3A, %iota3A_43 : vector<8x128xi32>
    %convert_element_type3A = arith.extui %eq3A : vector<8x128xi1> to vector<8x128xi32>
    %convert_element_type3A_44 = arith.sitofp %convert_element_type3A : vector<8x128xi32> to vector<8x128xf32>
    %dot_general3A = arith.constant dense<0.000000e+00> : vector<400x128xf32>
    %dot_general3A_45 = tpu.matmul %add3A_19, %convert_element_type3A_44, %dot_general3A {dimension_numbers = #tpu.dot_dimension_numbers<[1], [0], [0], [1], [0, 0, 1, 1], [], []>, transpose_lhs_hint = false} : vector<400x8xf32>, vector<8x128xf32>, vector<400x128xf32> -> vector<400x128xf32>
    %add3A_46 = arith.constant 1.000000e-16 : f32
    %add3A_47 = vector.broadcast %add3A_46 : f32 to vector<400x128xf32>
    %add3A_48 = arith.addf %dot_general3A_45, %add3A_47 : vector<400x128xf32>
    %div3A_49 = arith.divf %add3A, %add3A_48 : vector<400x128xf32>
    %get3A_50 = arith.constant 0 : index
    %get3A_51 = arith.constant 0 : index
    %get3A_52 = vector.load %arg4[%get3A_50, %get3A_51] : memref<128x128xf32, #tpu.memory_space<vmem>>, vector<128x128xf32>
    %dot_general3A_53 = arith.constant dense<0.000000e+00> : vector<400x128xf32>
    %dot_general3A_54 = tpu.matmul %div3A_49, %get3A_52, %dot_general3A_53 {dimension_numbers = #tpu.dot_dimension_numbers<[1], [1], [0], [0], [0, 0, 1, 0], [], []>, transpose_lhs_hint = false} : vector<400x128xf32>, vector<128x128xf32>, vector<400x128xf32> -> vector<400x128xf32>
    %get3A_55 = arith.constant 0 : index
    %get3A_56 = arith.constant 0 : index
    %get3A_57 = vector.load %arg5[%get3A_55, %get3A_56] : memref<1x128xf32, #tpu.memory_space<vmem>>, vector<1x128xf32>
    %add3A_58 = vector.broadcast %get3A_57 : vector<1x128xf32> to vector<400x128xf32>
    %add3A_59 = arith.addf %dot_general3A_54, %add3A_58 : vector<400x128xf32>
    %get3A_60 = arith.constant 0 : index
    %get3A_61 = arith.constant 0 : index
    %get3A_62 = vector.load %arg3[%get3A_60, %get3A_61] : memref<400x128xf32, #tpu.memory_space<vmem>>, vector<400x128xf32>
    %add3A_63 = arith.addf %get3A_62, %add3A_59 : vector<400x128xf32>
    %get3A_64 = arith.constant 0 : index
    %get3A_65 = arith.constant 0 : index
    %get3A_66 = vector.load %arg6[%get3A_64, %get3A_65] : memref<1x128xf32, #tpu.memory_space<vmem>>, vector<1x128xf32>
    %get3A_67 = arith.constant 0 : index
    %get3A_68 = arith.constant 0 : index
    %get3A_69 = vector.load %arg7[%get3A_67, %get3A_68] : memref<1x128xf32, #tpu.memory_space<vmem>>, vector<1x128xf32>
    %reduce_sum3A = arith.constant dense<0.000000e+00> : vector<400xf32>
    %reduce_sum3A_70 = vector.multi_reduction <add>, %add3A_63, %reduce_sum3A [1] : vector<400x128xf32> to vector<400xf32>
    %broadcast_in_dim3A = vector.shape_cast %reduce_sum3A_70 : vector<400xf32> to vector<400x1xf32>
    %div3A_71 = arith.constant 1.280000e+02 : f32
    %div3A_72 = vector.broadcast %div3A_71 : f32 to vector<400x1xf32>
    %div3A_73 = arith.divf %broadcast_in_dim3A, %div3A_72 : vector<400x1xf32>
    %sub3A_74 = vector.broadcast %div3A_73 : vector<400x1xf32> to vector<400x128xf32>
    %sub3A_75 = arith.subf %add3A_63, %sub3A_74 : vector<400x128xf32>
    %sub3A_76 = vector.broadcast %div3A_73 : vector<400x1xf32> to vector<400x128xf32>
    %sub3A_77 = arith.subf %add3A_63, %sub3A_76 : vector<400x128xf32>
    %mul3A = arith.mulf %sub3A_75, %sub3A_77 : vector<400x128xf32>
    %reduce_sum3A_78 = arith.constant dense<0.000000e+00> : vector<400xf32>
    %reduce_sum3A_79 = vector.multi_reduction <add>, %mul3A, %reduce_sum3A_78 [1] : vector<400x128xf32> to vector<400xf32>
    %broadcast_in_dim3A_80 = vector.shape_cast %reduce_sum3A_79 : vector<400xf32> to vector<400x1xf32>
    %div3A_81 = arith.constant 1.280000e+02 : f32
    %div3A_82 = vector.broadcast %div3A_81 : f32 to vector<400x1xf32>
    %div3A_83 = arith.divf %broadcast_in_dim3A_80, %div3A_82 : vector<400x1xf32>
    %sub3A_84 = vector.broadcast %div3A_73 : vector<400x1xf32> to vector<400x128xf32>
    %sub3A_85 = arith.subf %add3A_63, %sub3A_84 : vector<400x128xf32>
    %add3A_86 = arith.constant 9.99999974E-6 : f32
    %add3A_87 = vector.broadcast %add3A_86 : f32 to vector<400x1xf32>
    %add3A_88 = arith.addf %div3A_83, %add3A_87 : vector<400x1xf32>
    %sqrt3A = math.sqrt %add3A_88 : vector<400x1xf32>
    %div3A_89 = vector.broadcast %sqrt3A : vector<400x1xf32> to vector<400x128xf32>
    %div3A_90 = arith.divf %sub3A_85, %div3A_89 : vector<400x128xf32>
    %mul3A_91 = vector.broadcast %get3A_66 : vector<1x128xf32> to vector<400x128xf32>
    %mul3A_92 = arith.mulf %div3A_90, %mul3A_91 : vector<400x128xf32>
    %add3A_93 = vector.broadcast %get3A_69 : vector<1x128xf32> to vector<400x128xf32>
    %add3A_94 = arith.addf %mul3A_92, %add3A_93 : vector<400x128xf32>
    %get3A_95 = arith.constant 0 : index
    %get3A_96 = arith.constant 0 : index
    %get3A_97 = vector.load %arg8[%get3A_95, %get3A_96] : memref<256x128xf32, #tpu.memory_space<vmem>>, vector<256x128xf32>
    %dot_general3A_98 = arith.constant dense<0.000000e+00> : vector<400x256xf32>
    %dot_general3A_99 = tpu.matmul %add3A_94, %get3A_97, %dot_general3A_98 {dimension_numbers = #tpu.dot_dimension_numbers<[1], [1], [0], [0], [0, 0, 1, 0], [], []>, transpose_lhs_hint = false} : vector<400x128xf32>, vector<256x128xf32>, vector<400x256xf32> -> vector<400x256xf32>
    %get3A_100 = arith.constant 0 : index
    %get3A_101 = arith.constant 0 : index
    %get3A_102 = vector.load %arg9[%get3A_100, %get3A_101] : memref<1x256xf32, #tpu.memory_space<vmem>>, vector<1x256xf32>
    %add3A_103 = vector.broadcast %get3A_102 : vector<1x256xf32> to vector<400x256xf32>
    %add3A_104 = arith.addf %dot_general3A_99, %add3A_103 : vector<400x256xf32>
    %max3A = arith.constant 0.000000e+00 : f32
    %max3A_105 = vector.broadcast %max3A : f32 to vector<400x256xf32>
    %max3A_106 = arith.maximumf %add3A_104, %max3A_105 : vector<400x256xf32>
    %get3A_107 = arith.constant 0 : index
    %get3A_108 = arith.constant 0 : index
    %get3A_109 = vector.load %arg10[%get3A_107, %get3A_108] : memref<128x256xf32, #tpu.memory_space<vmem>>, vector<128x256xf32>
    %dot_general3A_110 = arith.constant dense<0.000000e+00> : vector<400x128xf32>
    %dot_general3A_111 = tpu.matmul %max3A_106, %get3A_109, %dot_general3A_110 {dimension_numbers = #tpu.dot_dimension_numbers<[1], [1], [0], [0], [0, 0, 1, 0], [], []>, transpose_lhs_hint = false} : vector<400x256xf32>, vector<128x256xf32>, vector<400x128xf32> -> vector<400x128xf32>
    %get3A_112 = arith.constant 0 : index
    %get3A_113 = arith.constant 0 : index
    %get3A_114 = vector.load %arg11[%get3A_112, %get3A_113] : memref<1x128xf32, #tpu.memory_space<vmem>>, vector<1x128xf32>
    %add3A_115 = vector.broadcast %get3A_114 : vector<1x128xf32> to vector<400x128xf32>
    %add3A_116 = arith.addf %dot_general3A_111, %add3A_115 : vector<400x128xf32>
    %add3A_117 = arith.addf %add3A_63, %add3A_116 : vector<400x128xf32>
    %swap3A = arith.constant 0 : index
    %swap3A_118 = arith.constant 0 : index
    %swap3A_119 = vector.load %arg12[%swap3A, %swap3A_118] : memref<400x128xf32, #tpu.memory_space<vmem>>, vector<400x128xf32>
    tpu.vector_store %arg12[%swap3A, %swap3A_118], %add3A_117 {strides = array<i32>} : memref<400x128xf32, #tpu.memory_space<vmem>>, vector<400x128xf32>,
    return
  }
  func.func @transform_0(%arg0: i32) -> (i32, i32, i32) {
    %c0_i32 = arith.constant 0 : i32
    %c0_i32_0 = arith.constant 0 : i32
    %c0_i32_1 = arith.constant 0 : i32
    return %c0_i32, %arg0, %c0_i32_0 : i32, i32, i32
  }
  func.func @transform_1(%arg0: i32) -> (i32, i32, i32) {
    %c0_i32 = arith.constant 0 : i32
    %c0_i32_0 = arith.constant 0 : i32
    %c0_i32_1 = arith.constant 0 : i32
    return %c0_i32, %arg0, %c0_i32_0 : i32, i32, i32
  }
  func.func @transform_2(%arg0: i32) -> (i32, i32) {
    %c0_i32 = arith.constant 0 : i32
    %c0_i32_0 = arith.constant 0 : i32
    return %arg0, %c0_i32 : i32, i32
  }
  func.func @transform_3(%arg0: i32) -> (i32, i32) {
    %c0_i32 = arith.constant 0 : i32
    %c0_i32_0 = arith.constant 0 : i32
    %c0_i32_1 = arith.constant 0 : i32
    return %c0_i32, %c0_i32_0 : i32, i32
  }
  func.func @transform_4(%arg0: i32) -> (i32, i32) {
    %c0_i32 = arith.constant 0 : i32
    %c0_i32_0 = arith.constant 0 : i32
    %c0_i32_1 = arith.constant 0 : i32
    return %c0_i32, %c0_i32_0 : i32, i32
  }
  func.func @transform_5(%arg0: i32) -> (i32, i32) {
    %c0_i32 = arith.constant 0 : i32
    %c0_i32_0 = arith.constant 0 : i32
    %c0_i32_1 = arith.constant 0 : i32
    return %c0_i32, %c0_i32_0 : i32, i32
  }
  func.func @transform_6(%arg0: i32) -> (i32, i32) {
    %c0_i32 = arith.constant 0 : i32
    %c0_i32_0 = arith.constant 0 : i32
    %c0_i32_1 = arith.constant 0 : i32
    return %c0_i32, %c0_i32_0 : i32, i32
  }
  func.func @transform_7(%arg0: i32) -> (i32, i32) {
    %c0_i32 = arith.constant 0 : i32
    %c0_i32_0 = arith.constant 0 : i32
    %c0_i32_1 = arith.constant 0 : i32
    return %c0_i32, %c0_i32_0 : i32, i32
  }
  func.func @transform_8(%arg0: i32) -> (i32, i32) {
    %c0_i32 = arith.constant 0 : i32
    %c0_i32_0 = arith.constant 0 : i32
    %c0_i32_1 = arith.constant 0 : i32
    return %c0_i32, %c0_i32_0 : i32, i32
  }
  func.func @transform_9(%arg0: i32) -> (i32, i32) {
    %c0_i32 = arith.constant 0 : i32
    %c0_i32_0 = arith.constant 0 : i32
    %c0_i32_1 = arith.constant 0 : i32
    return %c0_i32, %c0_i32_0 : i32, i32
  }
  func.func @transform_10(%arg0: i32) -> (i32, i32) {
    %c0_i32 = arith.constant 0 : i32
    %c0_i32_0 = arith.constant 0 : i32
    %c0_i32_1 = arith.constant 0 : i32
    return %c0_i32, %c0_i32_0 : i32, i32
  }
  func.func @transform_11(%arg0: i32) -> (i32, i32) {
    %c0_i32 = arith.constant 0 : i32
    %c0_i32_0 = arith.constant 0 : i32
    return %arg0, %c0_i32 : i32, i32
  }
}

</mosaic_0001>

<sc_bundles>
// kernel: kernel.6.cloned.1.call-start
scs
__scs_entry_jumppad:
0x0: {  	(pc) =	sbr.rel $0x88, $3  }
0x1: {  	(tag) =	ssettag $0x0;
	lr =	simm.s32 $0x1  }
0x2: {  	[smem:$0x3F8C] =	sst lr;
	_ =	strace $0xD0000000  }
0x3: {  	_ = 	snop  }
0x4: {  	_ = 	snop  }
0x5: {  	_ = 	snop  }
0x6: {  	_ = 	snop  }
0x7: {  	_ = 	snop  }
__scs_overlays_trampoline_lowered:
0x8: {  	[smem:$0x3F9B] =	sst s0  }
0x9: {  	[smem:$0x3F9C] =	sst s1  }
0xa: {  	[smem:$0x3F9D] =	sst s2  }
0xb: {  	[smem:$0x3F9E] =	sst s3  }
0xc: {  	[smem:$0x3F9F] =	sst s4  }
0xd: {  	[smem:$0x3FA0] =	sst s5  }
0xe: {  	[smem:$0x3FA1] =	sst s6  }
0xf: {  	[smem:$0x3FA2] =	sst s7  }
0x10: {  	[smem:$0x3FA3] =	sst s8  }
0x11: {  	[smem:$0x3FA4] =	sst s9;
	s0 =	simm.s32 @!p0 $0x0  }
0x12: {  	s1 =	sld [smem:$0x3F8A];
	s0 =	simm.s32 @p0 $0x1  }
0x13: {  	[smem:$0x3FA5] =	sst s0;
	s0 =	simm.s32 @!p1 $0x0  }
0x14: {  	s2 =	sld [smem:$0x3F89];
	s0 =	simm.s32 @p1 $0x1  }
0x15: {  	[smem:$0x3FA6] =	sst s0;
	s0 =	simm.s32 @!p2 $0x0  }
0x16: {  	s3 =	sld [smem:$0x3FDB];
	s0 =	simm.s32 @p2 $0x1  }
0x17: {  	s4 =	simm.s32 $0x1BF5;
	[smem:$0x3FA8] =	sst s0  }
0x18: {  	s0 =	sld [smem:$0x3F8B];
	_ =	swait.ge [sflag:s4], $0x0  }
0x19: {  	s7 =	sld [smem:$0x3F8C]  }
0x1a: {  	s8 =	sadd.s32 $0xFFFFE003, lr  }
0x1b: {  	s9 =	sadd.s32 $0xFFFFFEF7, lr;
	s5 =	simm.s32 $0xFFFFFFFF;
	p2 =	slt.u32 s8, $0xFFFFF086  }
0x1c: {  	p1 =	slt.u32 s9, $0xF7A;
	s5 =	simm.s32 @!p2 $0x0  }
0x1d: {  	s5 =	simm.s32 @p1 $0x1;
	p0 =	seq.s32 s7, s2  }
0x1e: {  	s7 =	smul.u32 @!p0 $0xF7A, s2;
	p2 =	seq.s32 @!p0 s5, $0x0  }
0x1f: {  	s9 =	smul.u32 $0xF7A, s1;
	s8 =	simm.s32 @!p0 $0x1BF5;
	p2 =	por !p2, p0  }
0x20: {  	[sflag:s8] =	ssyncset.s32 @!p0 $0xFFFFF086;
	s6 =	sadd.s32 @!p0 s3, s7;
	s7 =	simm.s32 @!p0 $0x108  }
0x21: {  	s3 =	sadd.s32 s3, s9;
	s6 =	sadd.s32 @!p0 $0x88, s6;
	s7 =	simm.s32 @p2 $0x1082  }
0x22: {  	[simem:s7], [sflag:s8] =	dma.local @!p0 [hbm:s6], $0xF7A  }
0x23: {  	s9 =	sor.u32 $0xD0000000, s2;
	s6 =	simm.s32 $0x108;
	_ =	swait.ge @!p0 [sflag:s8], $0x0  }
0x24: {  	s3 =	sadd.s32 $0x88, s3;
	s6 =	simm.s32 @!p1 $0x1082;
	[sflag:s4] =	ssyncset.s32 $0xFFFFF086  }
0x25: {  	[simem:s6], [sflag:s4] =	dma.local [hbm:s3], $0xF7A  }
0x26: {  	[smem:$0x3F8C] =	sst s1;
	(tag) =	ssettag s2;
	_ =	strace s9  }
0x27: {  	s1 =	sld [smem:$0x3F9C]  }
0x28: {  	s2 =	sld [smem:$0x3F9D]  }
0x29: {  	s4 =	sld [smem:$0x3F9F]  }
0x2a: {  	p0 =	seq.s32 s5, $0x0;
	s5 =	sld [smem:$0x3FA0]  }
0x2b: {  	s6 =	sld [smem:$0x3FA1]  }
0x2c: {  	s7 =	sld [smem:$0x3FA2]  }
0x2d: {  	s3 =	simm.s32 $0x108;
	s8 =	sld [smem:$0x3FA3]  }
0x2e: {  	s3 =	simm.s32 @!p0 $0x1082;
	s9 =	sld [smem:$0x3FA4]  }
0x2f: {  	lr =	sadd.s32 s0, s3;
	s0 =	sld [smem:$0x3F9B]  }
0x30: {  	s3 =	sld [smem:$0x3F9E]  }
0x31: {  	[smem:$0x3FA7] =	sst s10  }
0x32: {  	s10 =	sld [smem:$0x3FA5];
	_ =	sdelay $0x3  }
0x33: {  	p0 =	seq.s32 s10, $0x1;
	s10 =	sld [smem:$0x3FA7];
	_ =	sdelay $0x3  }
0x34: {  	[smem:$0x3FA7] =	sst s10  }
0x35: {  	s10 =	sld [smem:$0x3FA6];
	_ =	sdelay $0x3  }
0x36: {  	p1 =	seq.s32 s10, $0x1;
	s10 =	sld [smem:$0x3FA7];
	_ =	sdelay $0x3  }
0x37: {  	[smem:$0x3FA7] =	sst s10  }
0x38: {  	s10 =	sld [smem:$0x3FA8]  }
0x39: {  	_ = 	snop;
	(pc) =	sbr.ind lr, $3  }
0x3a: {  	_ = 	snop  }
0x3b: {  	_ = 	snop  }
0x3c: {  	p2 =	seq.s32 s10, $0x1;
	s10 =	sld [smem:$0x3FA7]  }
0x3d: {  	_ =	shalt  }
0x3e: {  	_ =	shalt  }
0x3f: {  	_ =	shalt  }
0x40: {  	_ =	shalt  }
0x41: {  	_ =	shalt  }
0x42: {  	_ =	shalt  }
0x43: {  	_ =	shalt  }
0x44: {  	_ =	shalt  }
0x45: {  	_ =	shalt  }
0x46: {  	_ =	shalt  }
0x47: {  	_ =	shalt  }
0x48: {  	_ =	shalt  }
0x49: {  	_ =	shalt  }
0x4a: {  	_ =	shalt  }
0x4b: {  	_ =	shalt  }
0x4c: {  	_ =	shalt  }
0x4d: {  	_ =	shalt  }
0x4e: {  	_ =	shalt  }
0x4f: {  	_ =	shalt  }
0x50: {  	_ =	shalt  }
0x51: {  	_ =	shalt  }
0x52: {  	_ =	shalt  }
0x53: {  	_ =	shalt  }
0x54: {  	_ =	shalt  }
0x55: {  	_ =	shalt  }
0x56: {  	_ =	shalt  }
0x57: {  	_ =	shalt  }
0x58: {  	_ =	shalt  }
0x59: {  	_ =	shalt  }
0x5a: {  	_ =	shalt  }
0x5b: {  	_ =	shalt  }
0x5c: {  	_ =	shalt  }
0x5d: {  	_ =	shalt  }
0x5e: {  	_ =	shalt  }
0x5f: {  	_ =	shalt  }
0x60: {  	_ =	shalt  }
0x61: {  	_ =	shalt  }
0x62: {  	_ =	shalt  }
0x63: {  	_ =	shalt  }
0x64: {  	_ =	shalt  }
0x65: {  	_ =	shalt  }
0x66: {  	_ =	shalt  }
0x67: {  	_ =	shalt  }
0x68: {  	_ =	shalt  }
0x69: {  	_ =	shalt  }
0x6a: {  	_ =	shalt  }
0x6b: {  	_ =	shalt  }
0x6c: {  	_ =	shalt  }
0x6d: {  	_ =	shalt  }
0x6e: {  	_ =	shalt  }
0x6f: {  	_ =	shalt  }
0x70: {  	_ =	shalt  }
0x71: {  	_ =	shalt  }
0x72: {  	_ =	shalt  }
0x73: {  	_ =	shalt  }
0x74: {  	_ =	shalt  }
0x75: {  	_ =	shalt  }
0x76: {  	_ =	shalt  }
0x77: {  	_ =	shalt  }
0x78: {  	_ =	shalt  }
0x79: {  	_ =	shalt  }
0x7a: {  	_ =	shalt  }
0x7b: {  	_ =	shalt  }
0x7c: {  	_ =	shalt  }
0x7d: {  	_ =	shalt  }
0x7e: {  	_ =	shalt  }
0x7f: {  	_ =	shalt  }
0x80: {  	_ =	shalt  }
0x81: {  	_ =	shalt  }
0x82: {  	_ =	shalt  }
0x83: {  	_ =	shalt  }
0x84: {  	_ =	shalt  }
0x85: {  	_ =	shalt  }
0x86: {  	_ =	shalt  }
0x87: {  	_ =	shalt  }
.Lfunc_end0:
.L_simem_size_0:
called_computation_lowered:
.L_overlay_start_0:
0x88: {  	s2 =	sld [smem:$0x3FD9]  }
0x89: {  	s3 =	sld [smem:$0x3FFE];
	_ =	sdelay $0x1  }
0x8a: {  	s1 =	srdreg.scid  }
0x8b: {  	s0 =	sand.u32 $0x1, s1  }
0x8c: {  	s17 =	sshll.u32 s0, $0xA;
	s2 =	sadd.s32 s3, s2  }
0x8d: {  	s2 =	sadd.s32 s2, s17  }
0x8e: {  	[smem:$0x3FB3] =	sst s2  }
0x8f: {  	_ = 	snop  }
0x90: {  	s2 =	sld [smem:$0x3FD0];
	(tm) =	ssettm $0x1  }
0x91: {  	s18 =	sld [smem:$0x3FFB];
	_ =	sdelay $0x3  }
0x92: {  	_ =	strace s18  }
0x93: {  	s3 =	sld [smem:$0x3FFC];
	_ =	sdelay $0x3  }
0x94: {  	_ =	strace s3  }
0x95: {  	s3 =	sld [smem:$0x3FFD];
	_ =	sdelay $0x3  }
0x96: {  	_ =	strace s3  }
0x97: {  	_ =	strace $0x8FFFFFFF  }
0x98: {  	s19 =	sld [smem:$0x3FDB];
	_ =	sdelay $0x1  }
0x99: {  	s4 =	simm.s32 $_scs_section_size  }
0x9a: {  	s5 =	simm.s32 $_size__tile_overlayer_lowered;
	s6 =	simm.s32 $_tile_overlayer_lowered  }
0x9b: {  	s22 =	simm.s32 $0x1BFF;
	s21 =	sshll.u32 s6, $0x1;
	s3 =	sadd.s32 s4, s19  }
0x9c: {  	s7 =	simm.s32 $0x0;
	s20 =	sshll.u32 s5, $0x1;
	s5 =	sadd.s32 s21, s3  }
0x9d: {  	[timem:s7], [sflag:s22] =	dma.local [hbm:s5], s20  }
0x9e: {  	_ =	swait.ge [sflag:s22], s20  }
0x9f: {  	s4 =	ssub.s32 $0x0, s20;
	[sflag:s22] =	ssyncset.done $0x0  }
0xa0: {  	[sflag:s22] =	ssyncadd.s32 s4;
	_ =	sdelay $0x1  }
0xa1: {  	s23 =	simm.s32 $0x1B8B  }
0xa2: {  	_ =	swait.ge [sflag:s23], $0x1  }
0xa3: {  	[sflag:s23] =	ssyncset.done $0x0  }
0xa4: {  	s25 =	simm.s32 $0x1B8E;
	s24 =	sld [smem:$0x3FFE];
	[sflag:s23] =	ssyncadd.s32 $0xFFFFFFFF  }
0xa5: {  	s26 =	simm.s32 $execute0_lowered;
	[smem:$0x3FD2] =	sst s25  }
0xa6: {  	s5 =	sshll.u32 s26, $0x1;
	_ =	strace $0x80000046;
	[dreg:$0x1] =	wrdreg $0xFFFFFFFF  }
0xa7: {  	s28 =	simm.s32 $_size_execute0_lowered;
	s3 =	sadd.s32 s3, s5;
	[dreg:$0x0] =	wrdreg $0x0  }
0xa8: {  	s5 =	sshll.u32 s28, $0x1;
	[dreg:$0x2] =	wrdreg s3  }
0xa9: {  	[dreg:$0x3] =	wrdreg s5  }
0xaa: {  	[dreg:$0x4] =	wrdreg $0xC0  }
0xab: {  	_ =	task [dreg:s7], $0x5FFFF  }
0xac: {  	[dreg:$0x1] =	wrdreg $0xFFFFFFFF  }
0xad: {  	[dreg:$0x0] =	wrdreg $0x60  }
0xae: {  	[dreg:$0x2] =	wrdreg s2  }
0xaf: {  	[dreg:$0x3] =	wrdreg s24  }
0xb0: {  	[dreg:$0x4] =	wrdreg $0xAB000  }
0xb1: {  	[dreg:$0x5] =	wrdreg $0x1EB000  }
0xb2: {  	[dreg:$0x6] =	wrdreg $0x9  }
0xb3: {  	_ =	task.clear_ibuf [dreg:s7], $0x7FFFF;
	_ =	strace $0x90000046  }
0xb4: {  	s29 =	simm.s32 $0x9;
	_ =	strace $0x80000048  }
0xb5: {  	_ =	swait.ge [sflag:s29], $0x1  }
0xb6: {  	[sflag:s29] =	ssyncadd.s32 $0xFFFFFFFF  }
0xb7: {  	_ =	strace $0x90000048  }
0xb8: {  	_ =	sfence  }
0xb9: {  	s30 =	sld [smem:$0x0];
	_ =	sdelay $0x2  }
0xba: {  	s31 =	sshll.u32 s1, $0xD;
	s1 =	sshrl.u32 s1, $0x2  }
0xbb: {  	s3 =	sand.u32 $0x4000, s31;
	s1 =	sadd.s32 s1, s30  }
0xbc: {  	s0 =	sor.u32 s3, s0;
	s1 =	sshll.u32 s1, $0x11  }
0xbd: {  	s0 =	sor.u32 s1, s0  }
0xbe: {  	s0 =	sadd.s32 $0x8F2B, s0  }
0xbf: {  	[sflag:s0] =	ssyncadd.remote.s32 $0x1  }
0xc0: {  	_ =	sfence.sel $0xFFFF  }
0xc1: {  	[dreg:$0x0] =	wrdreg $0xFFFFFFFF;
	(pc) =	sbr.abs _section_cstart, $3  }
0xc2: {  	[dreg:$0x1] =	wrdreg $0xFFFFFFFF  }
0xc3: {  	_ =	task.clear_ibuf [dreg:s7], $0x2FFFF;
	_ =	strace $0x9FFFFFFF  }
0xc4: {  	(tm) =	ssettm $0x7FFFFFFF  }
0xc5: {  	_ =	shalt  }
tec
execute0_lowered:
.L_overlay_start_1:
0x0: {  	(tag) =	ssettag $0x1  }
0x1: {  	s0 =	srdreg.scid  }
0x2: {  	s10 =	stileid.u32;
	s2 =	rddreg [dreg:$0x1]  }
0x3: {  	s11 =	rddreg [dreg:$0x2];
	s5 =	smul.u32 $0x14000, s10  }
0x4: {  	s12 =	rddreg [dreg:$0x3];
	s13 =	simm.s32 $0x0;
	s8 =	smul.u32 $0x1400, s10  }
0x5: {  	s14 =	simm.s32 $0x1;
	s15 =	simm.s32 $0x2;
	s18 =	smul.u32 $0x50000, s10  }
0x6: {  	s0 =	sand.u32 $0x1, s0;
	[smem:$0x7FF] =	sst s13;
	s20 =	smul.u32 $0x5000, s10  }
0x7: {  	s6 =	sadd.s32 $0x9FC00, s2;
	s1 =	sshll.u32 s0, $0x4;
	s4 =	smul.u32 $0x140000, s0  }
0x8: {  	s7 =	smul.u32 $0x14000, s0;
	_ =	strace $0x80000047;
	s0 =	ssub.s32 $0x2, s0  }
0x9: {  	s1 =	sor.u32 s10, s1;
	s9 =	sshrl.u32 s0, $0x1;
	s19 =	sshrl.u32 s18, $0x2  }
0xa: {  	s18 =	sadd.s32 $0x38A0, s2;
	s3 =	smul.u32 $0x4E20, s1;
	s4 =	sadd.s32 s5, s4  }
0xb: {  	s17 =	sadd.s32 s8, s7;
	s7 =	smul.u32 $0x2710, s1;
	s8 =	sadd.s32 s19, s11  }
0xc: {  	s0 =	ssub.s32 s0, s9;
	s21 =	sadd.s32 $0x2800, s8;
	[dreg:$0x6] =	wrdreg s8  }
0xd: {  	s1 =	sshrl.u32 s20, $0x2;
	s22 =	sadd.s32 $0x5000, s8;
	[dreg:$0x7] =	wrdreg s21  }
0xe: {  	s11 =	simm.s32 $0x50;
	s23 =	sadd.s32 $0x7800, s8;
	[dreg:$0x8] =	wrdreg s22  }
0xf: {  	s19 =	simm.s32 $0x0;
	s24 =	sadd.s32 $0xA000, s8;
	[dreg:$0x9] =	wrdreg s23  }
0x10: {  	s4 =	sshrl.u32 s4, $0x3;
	s25 =	sadd.s32 $0xC800, s8;
	[dreg:$0xa] =	wrdreg s24  }
0x11: {  	s5 =	sshrl.u32 s17, $0x3;
	s26 =	sadd.s32 $0xF000, s8;
	[dreg:$0xb] =	wrdreg s25  }
0x12: {  	s28 =	sadd.s32 $0x11800, s8;
	s9 =	sadd.s32 s1, s12;
	[dreg:$0xc] =	wrdreg s26  }
0x13: {  	v0 =	vimm.f32 $0.0e+00;
	v1 =	vlaneseq.u32;
	s0 =	smax.u32 s0, $0x1;
	s12 =	simm.s32 $0xA080;
	[dreg:$0xd] =	wrdreg s28  }
0x14: {  	vm0 =	vmmov $0xffff;
	vm1 =	vmmov $0x1;
	vm2 =	vcmask $0x704;
	s3 =	sadd.s32 s3, s2;
	s4 =	sadd.s32 s4, s2;
	[dreg:$0x12] =	wrdreg s0  }
0x15: {  	vm3 =	vcmask $0xB08;
	vm4 =	vcmask $0xF0C;
	vm5 =	vcmask $0x1310;
	s5 =	sadd.s32 s5, s2;
	[dreg:$0xe] =	wrdreg s9;
	s29 =	sadd.s32 $0x3800, s3  }
0x16: {  	vm6 =	vcmask $0x1714;
	vm7 =	vcmask $0x1B18;
	vm8 =	vcmask $0x1F1C;
	s22 =	simm.s32 $0x7800;
	s30 =	sadd.s32 $0xF2E00, s4;
	[dreg:$0xf] =	wrdreg s29  }
0x17: {  	v2 =	vmul.u32 $0x10, v1;
	v3 =	vand.u32 $0x7, v1;
	v4 =	vshrl.u32 v1, $0x3;
	s23 =	simm.s32 $0x4;
	s31 =	sadd.s32 $0xEDE00, s5;
	[dreg:$0x10] =	wrdreg s30  }
0x18: {  	v5 =	vor.u32 $0x8, v1;
	v6 =	vadd.s32 $0x1, v1;
	v4 =	vmul.u32 $0x8, v4;
	s24 =	simm.s32 $0xA100;
	s25 =	simm.s32 $0x3;
	[dreg:$0x11] =	wrdreg s31  }
.LBB2_1:
0x19: {  	[dreg:$0x5] =	wrdreg s13;
	s0 =	simm.s32 $0x0;
	s1 =	simm.s32 $0x200  }
.LBB2_2:
0x1a: {  	p0 =	sne.s32 s1, $0x9E00;
	[tilespmem:s0+$0x7870] =	vst v0  }
0x1b: {  	[tilespmem:s0+$0x7800] =	vst v0  }
0x1c: {  	[tilespmem:s0+$0x7810] =	vst v0  }
.Ltmp0:
0x1d: {  	[tilespmem:s0+$0x7820] =	vst v0;
	(pc) =	sbr.rel @p0 .LBB2_2-.Ltmp0, $4  }
0x1e: {  	[tilespmem:s0+$0x7830] =	vst v0  }
0x1f: {  	[tilespmem:s0+$0x7840] =	vst v0  }
0x20: {  	[tilespmem:s0+$0x7850] =	vst v0  }
0x21: {  	[tilespmem:s0+$0x7860] =	vst v0;
	s0 =	sshra.s32 s1, $0x2;
	s1 =	sadd.s32 $0x200, s1  }
0x22: {  	[tilespmem:s0+$0x7870] =	vst v0  }
0x23: {  	[tilespmem:s0+$0x7800] =	vst v0  }
0x24: {  	[tilespmem:s0+$0x7810] =	vst v0  }
0x25: {  	[tilespmem:s0+$0x7820] =	vst v0  }
0x26: {  	[tilespmem:s0+$0x7830] =	vst v0  }
0x27: {  	[tilespmem:s0+$0x7840] =	vst v0  }
0x28: {  	[tilespmem:s0+$0x7850] =	vst v0  }
0x29: {  	[tilespmem:s0+$0x7860] =	vst v0  }
0x2a: {  	[spmem:s8] =	stream.linear.scatter [tilespmem:s22], [sflag:$0x4], $0x2800, $0x38;
	[tilespmem:$0x1FF00] =	vst v63  }
0x2b: {  	_ =	swait.ge [sflag:s23], $0x2800  }
0x2c: {  	[sflag:s23] =	ssyncset.done $0x0  }
0x2d: {  	s17 =	rddreg [dreg:$0x7];
	[sflag:s23] =	ssyncadd.s32 $0xFFFFD800  }
0x2e: {  	[spmem:s17] =	stream.linear.scatter [tilespmem:s22], [sflag:$0x4], $0x2800, $0x38;
	[tilespmem:$0x1FF00] =	vst v63  }
0x2f: {  	_ =	swait.ge [sflag:s23], $0x2800  }
0x30: {  	[sflag:s23] =	ssyncset.done $0x0  }
0x31: {  	s20 =	rddreg [dreg:$0x8];
	[sflag:s23] =	ssyncadd.s32 $0xFFFFD800  }
0x32: {  	[spmem:s20] =	stream.linear.scatter [tilespmem:s22], [sflag:$0x4], $0x2800, $0x38;
	[tilespmem:$0x1FF00] =	vst v63  }
0x33: {  	_ =	swait.ge [sflag:s23], $0x2800  }
0x34: {  	[sflag:s23] =	ssyncset.done $0x0  }
0x35: {  	s21 =	rddreg [dreg:$0x9];
	[sflag:s23] =	ssyncadd.s32 $0xFFFFD800  }
0x36: {  	[spmem:s21] =	stream.linear.scatter [tilespmem:s22], [sflag:$0x4], $0x2800, $0x38;
	[tilespmem:$0x1FF00] =	vst v63  }
0x37: {  	_ =	swait.ge [sflag:s23], $0x2800  }
0x38: {  	[sflag:s23] =	ssyncset.done $0x0  }
0x39: {  	s26 =	rddreg [dreg:$0xa];
	[sflag:s23] =	ssyncadd.s32 $0xFFFFD800  }
0x3a: {  	[spmem:s26] =	stream.linear.scatter [tilespmem:s22], [sflag:$0x4], $0x2800, $0x38;
	[tilespmem:$0x1FF00] =	vst v63  }
0x3b: {  	_ =	swait.ge [sflag:s23], $0x2800  }
0x3c: {  	[sflag:s23] =	ssyncset.done $0x0  }
0x3d: {  	s28 =	rddreg [dreg:$0xb];
	[sflag:s23] =	ssyncadd.s32 $0xFFFFD800  }
0x3e: {  	[spmem:s28] =	stream.linear.scatter [tilespmem:s22], [sflag:$0x4], $0x2800, $0x38;
	[tilespmem:$0x1FF00] =	vst v63  }
0x3f: {  	_ =	swait.ge [sflag:s23], $0x2800  }
0x40: {  	[sflag:s23] =	ssyncset.done $0x0  }
0x41: {  	s29 =	rddreg [dreg:$0xc];
	[sflag:s23] =	ssyncadd.s32 $0xFFFFD800  }
0x42: {  	[spmem:s29] =	stream.linear.scatter [tilespmem:s22], [sflag:$0x4], $0x2800, $0x38;
	[tilespmem:$0x1FF00] =	vst v63  }
0x43: {  	_ =	swait.ge [sflag:s23], $0x2800  }
0x44: {  	[sflag:s23] =	ssyncset.done $0x0  }
0x45: {  	s30 =	rddreg [dreg:$0xd];
	[sflag:s23] =	ssyncadd.s32 $0xFFFFD800  }
0x46: {  	[spmem:s30] =	stream.linear.scatter [tilespmem:s22], [sflag:$0x4], $0x2800, $0x38;
	[tilespmem:$0x1FF00] =	vst v63  }
0x47: {  	_ =	swait.ge [sflag:s23], $0x2800  }
0x48: {  	[sflag:s23] =	ssyncset.done $0x0  }
0x49: {  	[sflag:s23] =	ssyncadd.s32 $0xFFFFD800  }
0x4a: {  	[spmem:s9] =	stream.linear.scatter [tilespmem:s22], [sflag:$0x4], $0x1400, $0x38;
	[tilespmem:$0x1FF00] =	vst v63  }
0x4b: {  	_ =	swait.ge [sflag:s23], $0x1400  }
0x4c: {  	[sflag:s23] =	ssyncset.done $0x0  }
0x4d: {  	[sflag:s23] =	ssyncadd.s32 $0xFFFFEC00  }
0x4e: {  	[bflag:$0x0] =	sbarrier.arrive $0xFFFF  }
0x4f: {  	s20 =	simm.s32 $0x0;
	s31 =	rddreg [dreg:$0xf]  }
0x50: {  	[tilespmem:s24], [sflag:$0x3] =	stream.linear.gather [hbm4b:s31+s19], $0x500, $0x38;
	[tilespmem:$0x1FF00] =	vst v63  }
.LBB2_4:
0x51: {  	v7 =	vmov s19  }
0x52: {  	v7 =	vshll.u32 v7, $0x4  }
0x53: {  	v7 =	vor.u32 v2, v7  }
0x54: {  	v8 =	vor.u32 $0x8, v7  }
0x55: {  	s0 =	simm.s32 $0x10;
	v7 =	vor.u32 $0x9, v7  }
0x56: {  	_ =	swait.ge [sflag:s25], $0x500;
	v9 =	vmov s0  }
0x57: {  	[sflag:s25] =	ssyncset.done $0x0;
	v9 =	vshll.u32 v9, $0x4  }
0x58: {  	[sflag:s25] =	ssyncadd.s32 $0xFFFFFB00;
	v9 =	vor.u32 v2, v9  }
0x59: {  	v10 =	vor.u32 $0x8, v9;
	v8 =	vld.idx.msk [tilespmem:v8+s24+$0x0], $0xffff  }
0x5a: {  	s31 =	simm.s32 $0x20;
	v12 =	vor.u32 $0x9, v9;
	v11 =	vld.idx.msk [tilespmem:v7+s24+$0x0], $0xffff  }
0x5b: {  	v7 =	vmov s31  }
0x5c: {  	v7 =	vshll.u32 v7, $0x4  }
0x5d: {  	s0 =	simm.s32 $0xA000;
	v13 =	vor.u32 v2, v7  }
0x5e: {  	s1 =	simm.s32 $0xA080;
	v7 =	vld.idx.msk [tilespmem:v10+s24+$0x0], $0xffff;
	v9 =	vor.u32 $0x8, v13;
	[tilespmem:s0+$0x0] =	vst v8  }
0x5f: {  	s2 =	simm.s32 $0x30;
	v10 =	vor.u32 $0x9, v13;
	v8 =	vld.idx.msk [tilespmem:v12+s24+$0x0], $0xffff;
	[tilespmem:s1+$0x0] =	vst v11  }
.LBB2_5:
0x60: {  	p0 =	sne.s32 s2, $0x40  }
.Ltmp1:
0x61: {  	v11 =	vmov s2;
	(pc) =	sbr.rel @p0 .LBB2_5-.Ltmp1, $4  }
0x62: {  	s2 =	sadd.s32 $0x10, s2;
	s0 =	sadd.s32 $0x10, s0;
	v11 =	vshll.u32 v11, $0x4  }
0x63: {  	s1 =	sadd.s32 $0x10, s1;
	v11 =	vor.u32 v2, v11;
	[tilespmem:s0+$0x0] =	vst v7;
	v7 =	vld.idx.msk [tilespmem:v9+s24+$0x0], $0xffff  }
0x64: {  	v9 =	vor.u32 $0x8, v11;
	[tilespmem:s1+$0x0] =	vst v8;
	v8 =	vld.idx.msk [tilespmem:v10+s24+$0x0], $0xffff  }
0x65: {  	v10 =	vor.u32 $0x9, v11  }
0x66: {  	_ =	sdelay $0x3  }
0x67: {  	v9 =	vld.idx.msk [tilespmem:v9+s24+$0x0], $0xffff  }
0x68: {  	v10 =	vld.idx.msk [tilespmem:v10+s24+$0x0], $0xffff  }
0x69: {  	s0 =	sadd.s32 $0x10, s0  }
0x6a: {  	s1 =	sadd.s32 $0x10, s1;
	[tilespmem:s0+$0x0] =	vst v7  }
0x6b: {  	s0 =	sadd.s32 $0x10, s0;
	[tilespmem:s1+$0x0] =	vst v8  }
0x6c: {  	s9 =	sadd.s32 $0x10, s1;
	[tilespmem:s0+$0x0] =	vst v9  }
0x6d: {  	[tilespmem:s9+$0x0] =	vst v10  }
0x6e: {  	v7 =	vld [tilespmem:$0xA000];
	_ =	sdelay $0x4  }
0x6f: {  	v8 =	vshll.u32 v7, $0x1  }
0x70: {  	v7 =	vand.u32 $0x7, v7;
	v8 =	vand.u32 $0xFFFFFFF0, v8  }
0x71: {  	v7 =	vor.u32 v7, v8  }
0x72: {  	v8 =	vperm.xlane v7, v3;
	_ =	sdelay $0x1  }
0x73: {  	v7 =	vperm.xlane v7, v5;
	v8 =	vadd.s32 v4, v8;
	_ =	sdelay $0x1  }
0x74: {  	v7 =	vadd.s32 v4, v7;
	_ =	sdelay $0x1  }
0x75: {  	s0 =	simm.s32 $0x0  }
0x76: {  	[tilespmem:s0], [sflag:$0x1] =	stream.indirect_vreg.gather [hbm4b:s6+s0], $0x80, v8, vm0, $0xb8;
	[tilespmem:$0x1FF00] =	vst v63  }
0x77: {  	s10 =	simm.s32 $0x800  }
0x78: {  	[tilespmem:s10], [sflag:$0x1] =	stream.indirect_vreg.gather [hbm4b:s6+s0], $0x80, v7, vm0, $0xb8;
	[tilespmem:$0x1FF00] =	vst v63  }
0x79: {  	v7 =	vld [tilespmem:$0xA010];
	_ =	sdelay $0x4  }
0x7a: {  	v8 =	vshll.u32 v7, $0x1  }
0x7b: {  	v7 =	vand.u32 $0x7, v7;
	v8 =	vand.u32 $0xFFFFFFF0, v8  }
0x7c: {  	v7 =	vor.u32 v7, v8  }
0x7d: {  	v8 =	vperm.xlane v7, v3;
	_ =	sdelay $0x1  }
0x7e: {  	v7 =	vperm.xlane v7, v5;
	v8 =	vadd.s32 v4, v8;
	_ =	sdelay $0x1  }
0x7f: {  	v7 =	vadd.s32 v4, v7;
	_ =	sdelay $0x1  }
0x80: {  	s13 =	simm.s32 $0x1000  }
0x81: {  	[tilespmem:s13], [sflag:$0x1] =	stream.indirect_vreg.gather [hbm4b:s6+s0], $0x80, v8, vm0, $0xb8;
	[tilespmem:$0x1FF00] =	vst v63  }
0x82: {  	s16 =	simm.s32 $0x1800  }
0x83: {  	[tilespmem:s16], [sflag:$0x1] =	stream.indirect_vreg.gather [hbm4b:s6+s0], $0x80, v7, vm0, $0xb8;
	[tilespmem:$0x1FF00] =	vst v63  }
0x84: {  	v7 =	vld [tilespmem:$0xA020];
	_ =	sdelay $0x4  }
0x85: {  	v8 =	vshll.u32 v7, $0x1  }
0x86: {  	v7 =	vand.u32 $0x7, v7;
	v8 =	vand.u32 $0xFFFFFFF0, v8  }
0x87: {  	v7 =	vor.u32 v7, v8  }
0x88: {  	v8 =	vperm.xlane v7, v3;
	_ =	sdelay $0x1  }
0x89: {  	v7 =	vperm.xlane v7, v5;
	v8 =	vadd.s32 v4, v8;
	_ =	sdelay $0x1  }
0x8a: {  	v7 =	vadd.s32 v4, v7;
	_ =	sdelay $0x1  }
0x8b: {  	s17 =	simm.s32 $0x2000  }
0x8c: {  	[tilespmem:s17], [sflag:$0x1] =	stream.indirect_vreg.gather [hbm4b:s6+s0], $0x80, v8, vm0, $0xb8;
	[tilespmem:$0x1FF00] =	vst v63  }
0x8d: {  	s21 =	simm.s32 $0x2800  }
0x8e: {  	[tilespmem:s21], [sflag:$0x1] =	stream.indirect_vreg.gather [hbm4b:s6+s0], $0x80, v7, vm0, $0xb8;
	[tilespmem:$0x1FF00] =	vst v63  }
0x8f: {  	v7 =	vld [tilespmem:$0xA030];
	_ =	sdelay $0x4  }
0x90: {  	v8 =	vshll.u32 v7, $0x1  }
0x91: {  	v7 =	vand.u32 $0x7, v7;
	v8 =	vand.u32 $0xFFFFFFF0, v8  }
0x92: {  	v7 =	vor.u32 v7, v8  }
0x93: {  	v8 =	vperm.xlane v7, v3;
	_ =	sdelay $0x1  }
0x94: {  	v7 =	vperm.xlane v7, v5;
	v8 =	vadd.s32 v4, v8;
	_ =	sdelay $0x1  }
0x95: {  	v7 =	vadd.s32 v4, v7;
	_ =	sdelay $0x1  }
0x96: {  	s26 =	simm.s32 $0x3000  }
0x97: {  	[tilespmem:s26], [sflag:$0x1] =	stream.indirect_vreg.gather [hbm4b:s6+s0], $0x80, v8, vm0, $0xb8;
	[tilespmem:$0x1FF00] =	vst v63  }
0x98: {  	s28 =	simm.s32 $0x3800  }
0x99: {  	[tilespmem:s28], [sflag:$0x1] =	stream.indirect_vreg.gather [hbm4b:s6+s0], $0x80, v7, vm0, $0xb8;
	[tilespmem:$0x1FF00] =	vst v63  }
0x9a: {  	v7 =	vld [tilespmem:$0xA040];
	_ =	sdelay $0x4  }
0x9b: {  	v8 =	vshll.u32 v7, $0x1  }
0x9c: {  	v7 =	vand.u32 $0x7, v7;
	v8 =	vand.u32 $0xFFFFFFF0, v8  }
0x9d: {  	v7 =	vor.u32 v7, v8  }
0x9e: {  	v8 =	vperm.xlane v7, v3;
	_ =	sdelay $0x1  }
0x9f: {  	v7 =	vperm.xlane v7, v5;
	v8 =	vadd.s32 v4, v8;
	_ =	sdelay $0x1  }
0xa0: {  	v7 =	vadd.s32 v4, v7;
	_ =	sdelay $0x1  }
0xa1: {  	s29 =	simm.s32 $0x4000  }
0xa2: {  	[tilespmem:s29], [sflag:$0x1] =	stream.indirect_vreg.gather [hbm4b:s6+s0], $0x80, v8, vm0, $0xb8;
	[tilespmem:$0x1FF00] =	vst v63  }
0xa3: {  	s30 =	simm.s32 $0x4800  }
0xa4: {  	[tilespmem:s30], [sflag:$0x1] =	stream.indirect_vreg.gather [hbm4b:s6+s0], $0x80, v7, vm0, $0xb8;
	[tilespmem:$0x1FF00] =	vst v63  }
0xa5: {  	s31 =	rddreg [dreg:$0x0];
	s2 =	simm.s32 $0x5000  }
0xa6: {  	[tilespmem:s2], [sflag:$0x2] =	stream.indirect.gather [hbm4b:s31+s11], $0x80, s12, s11, $0xb8;
	[tilespmem:$0x1FF00] =	vst v63  }
0xa7: {  	_ =	swait.ge [sflag:s14], $0x5000  }
0xa8: {  	[sflag:s14] =	ssyncset.done $0x0  }
0xa9: {  	[sflag:s14] =	ssyncadd.s32 $0xFFFFB000  }
0xaa: {  	_ =	swait.ge [sflag:s15], $0x2800  }
0xab: {  	[sflag:s15] =	ssyncset.done $0x0  }
0xac: {  	s1 =	simm.s32 $0x0;
	[sflag:s15] =	ssyncadd.s32 $0xFFFFD800  }
0xad: {  	s2 =	simm.s32 $0x40;
	v7 =	vld [tilespmem:s1+$0xA080]  }
.LBB2_7:
0xae: {  	p0 =	sne.s32 s2, $0x100  }
.Ltmp2:
0xaf: {  	_ = 	snop;
	(pc) =	sbr.rel @p0 .LBB2_7-.Ltmp2, $3  }
0xb0: {  	_ =	sdelay $0x1  }
0xb1: {  	s3 =	sshra.s32 s2, $0x2;
	s2 =	sadd.s32 $0x40, s2;
	v8 =	vshrl.u32 v7, $0x4  }
0xb2: {  	v7 =	vld [tilespmem:s3+$0xA080];
	[tilespmem:s1+$0xA000] =	vst v8;
	s1 =	smov.u32 s3  }
0xb3: {  	_ =	sdelay $0x3  }
0xb4: {  	v7 =	vshrl.u32 v7, $0x4  }
0xb5: {  	s3 =	simm.s32 $0x5040;
	[tilespmem:s1+$0xA000] =	vst v7  }
0xb6: {  	s2 =	sand.u32 $0x7800, s0;
	s4 =	sand.u32 $0x380, s0;
	v7 =	vld [tilespmem:s3+$0xFFFFFFE0]  }
0xb7: {  	s21 =	sor.u32 s4, s2;
	v8 =	vld [tilespmem:s3+$0xFFFFFFC0]  }
0xb8: {  	v9 =	vld [tilespmem:s21+$0x20]  }
0xb9: {  	v12 =	vld [tilespmem:s21+$0x0]  }
0xba: {  	v10 =	vld [tilespmem:s21+$0x10]  }
0xbb: {  	v11 =	vld [tilespmem:s3+$0x10]  }
0xbc: {  	v13 =	vld [tilespmem:s21+$0x50]  }
0xbd: {  	v14 =	vld [tilespmem:s3+$0xFFFFFFD0];
	v7 =	vmul.f32 v7, v9  }
0xbe: {  	v15 =	vld [tilespmem:s3+$0x0];
	v8 =	vmul.f32 v8, v12  }
0xbf: {  	v16 =	vld [tilespmem:s21+$0x40];
	(xrf2) =	vadd.scan.msk.f32 $0xffff, v7  }
0xc0: {  	v9 =	vld [tilespmem:s21+$0x30];
	(xrf2) =	vadd.scan.msk.f32 $0xffff, v8  }
0xc1: {  	v7 =	vmul.f32 v11, v13;
	v11 =	vld [tilespmem:s3+$0xFFFFFFF0]  }
0xc2: {  	v10 =	vmul.f32 v14, v10  }
0xc3: {  	(xrf2) =	vadd.scan.msk.f32 $0xffff, v7  }
0xc4: {  	v8 =	vld [tilespmem:s3+$0x20];
	(xrf2) =	vadd.scan.msk.f32 $0xffff, v10  }
0xc5: {  	v7 =	vmul.f32 v15, v16;
	v10 =	vld [tilespmem:s21+$0x60]  }
0xc6: {  	v9 =	vmul.f32 v11, v9  }
0xc7: {  	(xrf2) =	vadd.scan.msk.f32 $0xffff, v7;
	v7 =	vld [tilespmem:s3+$0x30]  }
0xc8: {  	s5 =	simm.s32 $0x100;
	s8 =	simm.s32 $0x80;
	(xrf2) =	vadd.scan.msk.f32 $0xffff, v9;
	v9 =	vld [tilespmem:s21+$0x70]  }
0xc9: {  	s2 =	sand.u32 $0x380, s8;
	s1 =	sand.u32 $0x7800, s5;
	v11, _, _ =	vpop (xrf2)  }
0xca: {  	s16 =	sor.u32 s2, s1;
	v8 =	vmul.f32 v8, v10;
	v10, _, _ =	vpop (xrf2)  }
0xcb: {  	s9 =	simm.s32 $0x50C0;
	v17 =	vld [tilespmem:s16+$0x0];
	v10 =	vbroadcast v10, $0xF  }
0xcc: {  	v12 =	vld [tilespmem:s9+$0xFFFFFFE0]  }
0xcd: {  	v14 =	vld [tilespmem:s9+$0xFFFFFFC0];
	(xrf2) =	vadd.scan.msk.f32 $0xffff, v8;
	v13, _, _ =	vpop (xrf2);
	v7 =	vmul.f32 v7, v9;
	v10 =	vnsel vm1, $0x0, v10  }
0xce: {  	v9 =	vld [tilespmem:s16+$0x20];
	v8, _, _ =	vpop (xrf2);
	v10 =	vadd.f32 $0.0e+00, v10  }
0xcf: {  	v18 =	vld [tilespmem:s16+$0x50];
	v8 =	vbroadcast v8, $0xF;
	(xrf2) =	vadd.scan.msk.f32 $0xffff, v7  }
0xd0: {  	v7 =	vld [tilespmem:s9+$0x10]  }
0xd1: {  	v19 =	vld [tilespmem:s9+$0xFFFFFFD0];
	v11 =	vbroadcast v11, $0xF;
	v16, _, _ =	vpop (xrf2);
	v8 =	vnsel vm2, $0x0, v8  }
0xd2: {  	v15 =	vld [tilespmem:s16+$0x10];
	v14 =	vmul.f32 v14, v17;
	v8 =	vadd.f32 v8, v10;
	v10, _, _ =	vpop (xrf2)  }
0xd3: {  	v17 =	vld [tilespmem:s9+$0xFFFFFFF0];
	v11 =	vnsel vm3, $0x0, v11;
	v9 =	vmul.f32 v12, v9;
	v10 =	vbroadcast v10, $0xF  }
0xd4: {  	v12 =	vld [tilespmem:s16+$0x30];
	v8 =	vadd.f32 v11, v8  }
0xd5: {  	v16 =	vbroadcast v16, $0xF;
	v11 =	vld [tilespmem:s9+$0x0];
	v7 =	vmul.f32 v7, v18;
	v10 =	vnsel vm4, $0x0, v10  }
0xd6: {  	(xrf2) =	vadd.scan.msk.f32 $0xffff, v9;
	v8 =	vadd.f32 v10, v8;
	v10 =	vld [tilespmem:s16+$0x40]  }
0xd7: {  	v13 =	vbroadcast v13, $0xF;
	v16 =	vnsel vm5, $0x0, v16;
	v9, _, _ =	vpop (xrf2);
	(xrf2) =	vadd.scan.msk.f32 $0xffff, v14  }
0xd8: {  	v8 =	vadd.f32 v16, v8  }
0xd9: {  	s10 =	simm.s32 $0xA100;
	v15 =	vmul.f32 v19, v15;
	v13 =	vnsel vm6, $0x0, v13;
	v9 =	vbroadcast v9, $0xF;
	(xrf2) =	vadd.scan.msk.f32 $0xffff, v7;
	v7, _, _ =	vpop (xrf2)  }
0xda: {  	v7 =	vbroadcast v7, $0xF;
	v8 =	vadd.f32 v13, v8;
	v13 =	vld [tilespmem:s10+$0x0]  }
0xdb: {  	v9 =	vnsel vm7, $0x0, v9;
	(xrf2) =	vadd.scan.msk.f32 $0xffff, v15;
	v10 =	vmul.f32 v11, v10;
	v11 =	vmul.f32 v17, v12;
	v12 =	vld [tilespmem:s16+$0x60]  }
0xdc: {  	v8 =	vadd.f32 v9, v8;
	v9 =	vld [tilespmem:s9+$0x20]  }
0xdd: {  	v7 =	vnsel vm8, $0x0, v7  }
0xde: {  	(xrf2) =	vadd.scan.msk.f32 $0xffff, v10;
	v10 =	vld [tilespmem:s16+$0x70];
	v7 =	vadd.f32 v7, v8  }
0xdf: {  	v8 =	vld [tilespmem:s9+$0x30];
	(xrf2) =	vadd.scan.msk.f32 $0xffff, v11  }
0xe0: {  	v11, _, _ =	vpop (xrf2);
	v7 =	vadd.f32 v7, v13  }
0xe1: {  	s13 =	simm.s32 $0x200;
	s17 =	simm.s32 $0x100;
	s26 =	simm.s32 $0x5140;
	v9 =	vmul.f32 v9, v12;
	v12, _, _ =	vpop (xrf2)  }
0xe2: {  	s1 =	sand.u32 $0x7800, s13;
	s2 =	sand.u32 $0x380, s17;
	v7 =	vmul.f32 $1.442695020e+00, v7;
	v12 =	vbroadcast v12, $0xF  }
0xe3: {  	v20 =	vld [tilespmem:s26+$0xFFFFFFD0];
	s8 =	sor.u32 s2, s1  }
0xe4: {  	v18 =	vld [tilespmem:s8+$0x50];
	v14, _, _ =	vpop (xrf2);
	(erf) = vpow2.f32 v7;
	v7 =	vmul.f32 v8, v10;
	v10 =	vnsel vm1, $0x0, v12  }
0xe5: {  	v15 =	vld [tilespmem:s26+$0xFFFFFFC0];
	(xrf2) =	vadd.scan.msk.f32 $0xffff, v9;
	v8, _, _ =	vpop (xrf2);
	v10 =	vadd.f32 $0.0e+00, v10  }
0xe6: {  	v17 =	vld [tilespmem:s8+$0x0];
	v8 =	vbroadcast v8, $0xF  }
0xe7: {  	v13 =	vld [tilespmem:s26+$0xFFFFFFE0];
	(xrf2) =	vadd.scan.msk.f32 $0xffff, v7  }
0xe8: {  	v9 =	vld [tilespmem:s8+$0x20];
	v7 =	vbroadcast v11, $0xF;
	v8 =	vnsel vm2, $0x0, v8;
	v11, _, _ =	vpop (xrf2)  }
0xe9: {  	v16 =	vld [tilespmem:s26+$0x10];
	v8 =	vadd.f32 v8, v10;
	v10, _, _ =	vpop (xrf2)  }
0xea: {  	v12 =	vld [tilespmem:s8+$0x10];
	v7 =	vnsel vm3, $0x0, v7;
	v10 =	vbroadcast v10, $0xF  }
0xeb: {  	v19 =	vld [tilespmem:s21+$0x400];
	v8 =	vadd.f32 v7, v8  }
0xec: {  	v11 =	vbroadcast v11, $0xF;
	v10 =	vnsel vm4, $0x0, v10  }
0xed: {  	v23 =	vld [tilespmem:s16+$0x400];
	v15 =	vmul.f32 v15, v17;
	v9 =	vmul.f32 v13, v9;
	v7 =	vpop (erf);
	v8 =	vadd.f32 v10, v8  }
0xee: {  	v22 =	vld [tilespmem:s8+$0x40];
	v14 =	vbroadcast v14, $0xF;
	v11 =	vnsel vm5, $0x0, v11;
	v21 =	vbroadcast v7, $0x0  }
0xef: {  	v16 =	vmul.f32 v16, v18;
	v13 =	vld [tilespmem:s26+$0x0];
	v12 =	vmul.f32 v20, v12;
	(xrf2) =	vadd.scan.msk.f32 $0xffff, v9;
	v17, _, _ =	vpop (xrf2);
	v8 =	vadd.f32 v11, v8  }
0xf0: {  	v9 =	vld [tilespmem:s26+$0xFFFFFFF0];
	(xrf2) =	vadd.scan.msk.f32 $0xffff, v15;
	v11 =	vnsel vm6, $0x0, v14;
	v14 =	vbroadcast v17, $0xF;
	v17 =	vmul.f32 v21, v19  }
0xf1: {  	s5 =	simm.s32 $0x7840;
	s3 =	simm.s32 $0xA110;
	v10 =	vld [tilespmem:s8+$0x30];
	(xrf2) =	vadd.scan.msk.f32 $0xffff, v16;
	v15, _, _ =	vpop (xrf2);
	v8 =	vadd.f32 v11, v8  }
0xf2: {  	(xrf2) =	vadd.scan.msk.f32 $0xffff, v12;
	v11 =	vld [tilespmem:s3+$0x0];
	v15 =	vbroadcast v15, $0xF;
	v14 =	vnsel vm7, $0x0, v14;
	[tilespmem:s5+$0xFFFFFFC0] =	vst v17  }
0xf3: {  	v16 =	vld [tilespmem:s21+$0x410];
	v8 =	vadd.f32 v14, v8  }
0xf4: {  	v18 =	vld [tilespmem:s26+$0x20];
	v14 =	vnsel vm8, $0x0, v15  }
0xf5: {  	v13 =	vmul.f32 v13, v22;
	v12 =	vld [tilespmem:s8+$0x60];
	v8 =	vadd.f32 v14, v8  }
0xf6: {  	s4 =	simm.s32 $0x300;
	s9 =	simm.s32 $0x180;
	v9 =	vmul.f32 v9, v10;
	v10 =	vbroadcast v7, $0x1;
	v15 =	vld [tilespmem:s26+$0x30]  }
0xf7: {  	s1 =	sand.u32 $0x7800, s4;
	s10 =	simm.s32 $0x51C0;
	s2 =	sand.u32 $0x380, s9;
	(xrf2) =	vadd.scan.msk.f32 $0xffff, v13;
	v14 =	vld [tilespmem:s8+$0x70];
	v8 =	vadd.f32 v8, v11  }
0xf8: {  	s17 =	simm.s32 $0x400;
	s4 =	simm.s32 $0x200;
	v55 =	vld [tilespmem:s10+$0xFFFFFFF0];
	s1 =	sor.u32 s2, s1;
	(xrf2) =	vadd.scan.msk.f32 $0xffff, v9;
	v10 =	vmul.f32 v10, v16  }
0xf9: {  	s4 =	sand.u32 $0x380, s4;
	s2 =	sand.u32 $0x7800, s17;
	v24 =	vld [tilespmem:s1+$0x30];
	v16, _, _ =	vpop (xrf2);
	v8 =	vmul.f32 $1.442695020e+00, v8  }
0xfa: {  	v26 =	vld [tilespmem:s1+$0x60];
	s4 =	sor.u32 s4, s2;
	[tilespmem:s5+$0xFFFFFFD0] =	vst v10;
	v10 =	vmul.f32 v18, v12;
	v12, _, _ =	vpop (xrf2)  }
0xfb: {  	v59 =	vld [tilespmem:s4+$0x30];
	(erf) = vpow2.f32 v8;
	v8 =	vbroadcast v12, $0xF;
	v19, _, _ =	vpop (xrf2)  }
0xfc: {  	v20 =	vld [tilespmem:s1+$0x0];
	v14 =	vmul.f32 v15, v14;
	v15, _, _ =	vpop (xrf2)  }
0xfd: {  	v18 =	vld [tilespmem:s21+$0x420];
	v8 =	vnsel vm1, $0x0, v8;
	v15 =	vbroadcast v15, $0xF  }
0xfe: {  	v13 =	vld [tilespmem:s10+$0xFFFFFFE0];
	(xrf2) =	vadd.scan.msk.f32 $0xffff, v10;
	v8 =	vadd.f32 $0.0e+00, v8  }
0xff: {  	v11 =	vld [tilespmem:s1+$0x20];
	v15 =	vnsel vm2, $0x0, v15  }
0x100: {  	v22 =	vld [tilespmem:s1+$0x50];
	v21 =	vbroadcast v7, $0x2;
	(xrf2) =	vadd.scan.msk.f32 $0xffff, v14;
	v8 =	vadd.f32 v15, v8  }
0x101: {  	v9 =	vld [tilespmem:s10+$0xFFFFFFC0];
	v14 =	vbroadcast v16, $0xF;
	v16, _, _ =	vpop (xrf2)  }
0x102: {  	v17 =	vld [tilespmem:s1+$0x10];
	v18 =	vmul.f32 v21, v18;
	v15, _, _ =	vpop (xrf2)  }
0x103: {  	v12 =	vld [tilespmem:s10+$0x10];
	v14 =	vnsel vm3, $0x0, v14;
	v15 =	vbroadcast v15, $0xF  }
0x104: {  	v10 =	vld [tilespmem:s10+$0xFFFFFFD0];
	v11 =	vmul.f32 v13, v11;
	[tilespmem:s5+$0xFFFFFFE0] =	vst v18;
	v14 =	vadd.f32 v14, v8;
	v8 =	vpop (erf)  }
0x105: {  	s26 =	simm.s32 $0x5240;
	v13 =	vbroadcast v16, $0xF;
	v18 =	vld [tilespmem:s21+$0x430];
	v15 =	vnsel vm4, $0x0, v15;
	v25 =	vbroadcast v8, $0x0  }
0x106: {  	v28 =	vld [tilespmem:s26+$0xFFFFFFF0];
	v9 =	vmul.f32 v9, v20;
	v14 =	vadd.f32 v15, v14  }
0x107: {  	v16 =	vld [tilespmem:s1+$0x40];
	v13 =	vnsel vm5, $0x0, v13;
	v15 =	vbroadcast v19, $0xF;
	v23 =	vmul.f32 v25, v23  }
0x108: {  	s3 =	simm.s32 $0x78C0;
	(xrf2) =	vadd.scan.msk.f32 $0xffff, v11;
	v21 =	vld [tilespmem:s10+$0x0];
	v11 =	vmul.f32 v12, v22;
	v19 =	vbroadcast v7, $0x3;
	v20, _, _ =	vpop (xrf2);
	v13 =	vadd.f32 v13, v14  }
0x109: {  	v10 =	vmul.f32 v10, v17;
	v17 =	vld [tilespmem:s10+$0x20];
	v14 =	vnsel vm6, $0x0, v15;
	v15 =	vbroadcast v20, $0xF;
	[tilespmem:s3+$0xFFFFFFC0] =	vst v23  }
0x10a: {  	s13 =	simm.s32 $0xA120;
	(xrf2) =	vadd.scan.msk.f32 $0xffff, v9;
	v12, _, _ =	vpop (xrf2);
	v18 =	vmul.f32 v19, v18;
	v13 =	vadd.f32 v14, v13;
	v14 =	vld [tilespmem:s16+$0x410]  }
0x10b: {  	(xrf2) =	vadd.scan.msk.f32 $0xffff, v11;
	v20 =	vld [tilespmem:s13+$0x0];
	v9 =	vbroadcast v12, $0xF;
	v12 =	vnsel vm7, $0x0, v15  }
0x10c: {  	(xrf2) =	vadd.scan.msk.f32 $0xffff, v10;
	v10 =	vld [tilespmem:s1+$0x70];
	[tilespmem:s5+$0xFFFFFFF0] =	vst v18;
	v12 =	vadd.f32 v12, v13  }
0x10d: {  	v9 =	vnsel vm8, $0x0, v9;
	v15 =	vmul.f32 v21, v16;
	v11 =	vld [tilespmem:s21+$0x440];
	v13 =	vbroadcast v8, $0x1  }
0x10e: {  	v19 =	vld [tilespmem:s10+$0x30];
	v9 =	vadd.f32 v9, v12;
	v12 =	vmul.f32 v55, v24  }
0x10f: {  	v23 =	vld [tilespmem:s4+$0x50];
	(xrf2) =	vadd.scan.msk.f32 $0xffff, v15;
	v13 =	vmul.f32 v13, v14  }
0x110: {  	v16 =	vld [tilespmem:s26+$0xFFFFFFE0];
	v21 =	vbroadcast v7, $0x4;
	v9 =	vadd.f32 v9, v20;
	(xrf2) =	vadd.scan.msk.f32 $0xffff, v12  }
0x111: {  	v15 =	vld [tilespmem:s4+$0x20]  }
0x112: {  	v18 =	vld [tilespmem:s26+$0xFFFFFFC0];
	v11 =	vmul.f32 v21, v11;
	v9 =	vmul.f32 $1.442695020e+00, v9  }
0x113: {  	v17 =	vmul.f32 v17, v26;
	v14 =	vld [tilespmem:s4+$0x10];
	[tilespmem:s3+$0xFFFFFFD0] =	vst v13;
	v13, _, _ =	vpop (xrf2)  }
0x114: {  	[tilespmem:s5+$0x0] =	vst v11;
	v11 =	vld [tilespmem:s16+$0x420];
	(erf) = vpow2.f32 v9;
	v20, _, _ =	vpop (xrf2)  }
0x115: {  	v10 =	vmul.f32 v19, v10;
	v21 =	vld [tilespmem:s26+$0xFFFFFFD0];
	(xrf2) =	vadd.scan.msk.f32 $0xffff, v17;
	v20 =	vbroadcast v20, $0xF;
	v19, _, _ =	vpop (xrf2)  }
0x116: {  	v15 =	vmul.f32 v16, v15;
	v9 =	vld [tilespmem:s21+$0x450];
	v22, _, _ =	vpop (xrf2)  }
0x117: {  	v56 =	vbroadcast v8, $0x2;
	v17 =	vld [tilespmem:s4+$0x0];
	(xrf2) =	vadd.scan.msk.f32 $0xffff, v10;
	v20 =	vnsel vm1, $0x0, v20;
	v22 =	vbroadcast v22, $0xF  }
0x118: {  	v57 =	vbroadcast v7, $0x5;
	v12 =	vld [tilespmem:s26+$0x10];
	v20 =	vadd.f32 $0.0e+00, v20  }
0x119: {  	v16 =	vld [tilespmem:s26+$0x0];
	v13 =	vbroadcast v13, $0xF;
	v11 =	vmul.f32 v56, v11;
	v58, _, _ =	vpop (xrf2);
	v22 =	vnsel vm2, $0x0, v22  }
0x11a: {  	v62 =	vbroadcast v7, $0x6;
	v10 =	vld [tilespmem:s8+$0x400];
	(xrf2) =	vadd.scan.msk.f32 $0xffff, v15;
	v20 =	vadd.f32 v22, v20;
	v15, _, _ =	vpop (xrf2)  }
0x11b: {  	[tilespmem:s3+$0xFFFFFFE0] =	vst v11;
	v11 =	vnsel vm3, $0x0, v13;
	v13 =	vmul.f32 v9, v57;
	v22 =	vld [tilespmem:s4+$0x40];
	v15 =	vbroadcast v15, $0xF  }
0x11c: {  	v21 =	vmul.f32 v21, v14;
	v14 =	vmul.f32 v18, v17;
	v60 =	vld [tilespmem:s16+$0x430];
	v11 =	vadd.f32 v11, v20  }
0x11d: {  	v27 =	vbroadcast v8, $0x3;
	v25 =	vbroadcast v58, $0xF;
	v17 =	vld [tilespmem:s4+$0x60];
	v9 =	vpop (erf);
	v15 =	vnsel vm4, $0x0, v15  }
0x11e: {  	[tilespmem:s5+$0x10] =	vst v13;
	(xrf2) =	vadd.scan.msk.f32 $0xffff, v14;
	v20 =	vld [tilespmem:s26+$0x20];
	v18 =	vbroadcast v9, $0x0;
	v11 =	vadd.f32 v15, v11  }
0x11f: {  	s31 =	simm.s32 $0xA130;
	v12 =	vmul.f32 v12, v23;
	v19 =	vbroadcast v19, $0xF;
	v23 =	vld [tilespmem:s21+$0x460];
	v13, _, _ =	vpop (xrf2);
	v15 =	vnsel vm5, $0x0, v25  }
0x120: {  	v61 =	vbroadcast v13, $0xF;
	v13 =	vld [tilespmem:s31+$0x0];
	v10 =	vmul.f32 v18, v10;
	v14 =	vadd.f32 v15, v11  }
0x121: {  	s30 =	simm.s32 $0x7940;
	v19 =	vnsel vm6, $0x0, v19;
	(xrf2) =	vadd.scan.msk.f32 $0xffff, v12;
	v15 =	vmul.f32 v27, v60;
	v18 =	vmul.f32 v16, v22;
	v22, _, _ =	vpop (xrf2);
	v16 =	vld [tilespmem:s26+$0x30]  }
0x122: {  	v11 =	vbroadcast v9, $0x1;
	[tilespmem:s30+$0xFFFFFFC0] =	vst v10;
	v10 =	vbroadcast v22, $0xF;
	v63 =	vadd.f32 v19, v14;
	v22 =	vld [tilespmem:s4+$0x70]  }
0x123: {  	s0 =	simm.s32 $0x52C0;
	s28 =	simm.s32 $0xA610;
	s29 =	simm.s32 $0x7940;
	v25 =	vnsel vm7, $0x0, v61;
	[tilespmem:s3+$0xFFFFFFF0] =	vst v15;
	v15 =	vmul.f32 v20, v17;
	v20 =	vmul.f32 v28, v59;
	v14 =	vld [tilespmem:s8+$0x410]  }
0x124: {  	s9 =	simm.s32 $0x500;
	s2 =	simm.s32 $0x280;
	s26 =	simm.s32 $0xA600;
	(xrf2) =	vadd.scan.msk.f32 $0xffff, v21;
	v17, _, _ =	vpop (xrf2);
	v12 =	vld [tilespmem:s16+$0x440];
	v19 =	vnsel vm8, $0x0, v10;
	v21 =	vadd.f32 v25, v63;
	v10 =	vmul.f32 v23, v62  }
.LBB2_9:
0x125: {  	s10 =	smov.u32 s9  }
0x126: {  	s13 =	sand.u32 $0x7800, s9;
	s17 =	sand.u32 $0x380, s2;
	v23 =	vld [tilespmem:s0+$0xFFFFFFE0];
	s10 =	sadd.s32 $0x100, s9  }
0x127: {  	p0 =	sne.s32 s9, $0x4F00;
	s13 =	sor.u32 s17, s13;
	v24 =	vld [tilespmem:s0+$0xFFFFFFC0];
	(xrf2) =	vadd.scan.msk.f32 $0xffff, v18;
	v18 =	vadd.f32 v19, v21;
	v19 =	vbroadcast v8, $0x4;
	[tilespmem:s5+$0x20] =	vst v10  }
0x128: {  	v11 =	vmul.f32 v11, v14;
	v10 =	vld [tilespmem:s13+$0x20];
	v21, _, _ =	vpop (xrf2)  }
0x129: {  	v14 =	vbroadcast v21, $0xF;
	v13 =	vadd.f32 v18, v13;
	v12 =	vmul.f32 v19, v12;
	v18 =	vld [tilespmem:s21+$0x470];
	s21 =	smov.u32 s16;
	s16 =	smov.u32 s8;
	s8 =	smov.u32 s1  }
0x12a: {  	v16 =	vmul.f32 v16, v22;
	s1 =	smov.u32 s4;
	s4 =	smov.u32 s13;
	v19 =	vld [tilespmem:s13+$0x10];
	(xrf2) =	vadd.scan.msk.f32 $0xffff, v20;
	[tilespmem:s30+$0xFFFFFFD0] =	vst v11  }
0x12b: {  	v11 =	vld [tilespmem:s0+$0x10];
	v14 =	vnsel vm1, $0x0, v14;
	v20, _, _ =	vpop (xrf2);
	v13 =	vmul.f32 $1.442695020e+00, v13;
	[tilespmem:s3+$0x0] =	vst v12  }
0x12c: {  	v21 =	vbroadcast v7, $0x7;
	s30 =	sadd.s32 $0x80, s30;
	v12 =	vld [tilespmem:s16+$0x420]  }
0x12d: {  	v14 =	vadd.f32 $0.0e+00, v14;
	(xrf2) =	vadd.scan.msk.f32 $0xffff, v15;
	(erf) = vpow2.f32 v13;
	v13 =	vld [tilespmem:s21+$0x450]  }
0x12e: {  	s31 =	sadd.s32 $0x10, s31;
	v15 =	vld [tilespmem:s0+$0xFFFFFFD0];
	v22, _, _ =	vpop (xrf2);
	v18 =	vmul.f32 v18, v21  }
0x12f: {  	v17 =	vbroadcast v17, $0xF;
	v21 =	vld [tilespmem:s4+$0x0];
	v27 =	vbroadcast v22, $0xF  }
0x130: {  	v26 =	vbroadcast v8, $0x5;
	v25 =	vld [tilespmem:s4+$0x50];
	(xrf2) =	vadd.scan.msk.f32 $0xffff, v16;
	v16 =	vbroadcast v9, $0x2;
	[tilespmem:s5+$0x30] =	vst v18;
	s5 =	smov.u32 s3;
	s3 =	smov.u32 s29;
	s29 =	smov.u32 s30  }
0x131: {  	v17 =	vnsel vm3, $0x0, v17;
	v10 =	vmul.f32 v23, v10;
	v18 =	vnsel vm2, $0x0, v27;
	v22, _, _ =	vpop (xrf2);
	v23 =	vld [tilespmem:s8+$0x400];
	[tilespmem:s26+$0x0] =	vst v7;
	s26 =	smov.u32 s28  }
0x132: {  	v7 =	vmovc v8;
	v27 =	vld [tilespmem:s0+$0x0];
	v14 =	vadd.f32 v18, v14;
	v12 =	vmul.f32 v16, v12;
	v13 =	vmul.f32 v13, v26  }
0x133: {  	v8 =	vmov v9;
	v16 =	vbroadcast v22, $0xF;
	v26 =	vld [tilespmem:s4+$0x30]  }
0x134: {  	v19 =	vmul.f32 v15, v19;
	v15 =	vld [tilespmem:s4+$0x40];
	(xrf2) =	vadd.scan.msk.f32 $0xffff, v10;
	v10 =	vadd.f32 v17, v14;
	v9, _, _ =	vpop (xrf2);
	[tilespmem:s3+$0xFFFFFFE0] =	vst v12  }
0x135: {  	v18 =	vmul.f32 v24, v21;
	v14 =	vbroadcast v9, $0xF;
	v17 =	vld [tilespmem:s16+$0x430];
	[tilespmem:s5+$0x10] =	vst v13  }
0x136: {  	v13 =	vbroadcast v20, $0xF;
	v20 =	vbroadcast v8, $0x3;
	v21 =	vld [tilespmem:s0+$0x20];
	v9 =	vpop (erf)  }
0x137: {  	v22 =	vmul.f32 v11, v25;
	v24 =	vld [tilespmem:s4+$0x60];
	(xrf2) =	vadd.scan.msk.f32 $0xffff, v18;
	v11 =	vnsel vm4, $0x0, v14;
	v12, _, _ =	vpop (xrf2);
	v14 =	vbroadcast v9, $0x0  }
0x138: {  	v28 =	vnsel vm6, $0x0, v13;
	v25 =	vld [tilespmem:s0+$0xFFFFFFF0];
	v10 =	vadd.f32 v11, v10;
	v12 =	vbroadcast v12, $0xF  }
0x139: {  	v16 =	vnsel vm5, $0x0, v16;
	v11 =	vbroadcast v9, $0x1;
	v14 =	vmul.f32 v14, v23;
	v23 =	vld [tilespmem:s21+$0x460]  }
.Ltmp3:
0x13a: {  	v18 =	vmul.f32 v27, v15;
	(xrf2) =	vadd.scan.msk.f32 $0xffff, v22;
	v13 =	vld [tilespmem:s31+$0x0];
	v10 =	vadd.f32 v16, v10;
	v15, _, _ =	vpop (xrf2);
	v17 =	vmul.f32 v20, v17;
	(pc) =	sbr.rel @p0 .LBB2_9-.Ltmp3, $4  }
0x13b: {  	v27 =	vbroadcast v7, $0x6;
	v16 =	vld [tilespmem:s0+$0x30];
	v22 =	vbroadcast v15, $0xF;
	[tilespmem:s30+$0xFFFFFFC0] =	vst v14  }
0x13c: {  	v15 =	vmul.f32 v21, v24;
	v10 =	vadd.f32 v28, v10;
	v21 =	vnsel vm7, $0x0, v12;
	v14 =	vld [tilespmem:s8+$0x410];
	[tilespmem:s3+$0xFFFFFFF0] =	vst v17  }
0x13d: {  	s2 =	sadd.s32 $0x80, s2;
	v20 =	vmul.f32 v25, v26;
	(xrf2) =	vadd.scan.msk.f32 $0xffff, v19;
	v19 =	vnsel vm8, $0x0, v22;
	v12 =	vld [tilespmem:s16+$0x440]  }
0x13e: {  	s9 =	smov.u32 s10;
	s28 =	sadd.s32 $0x10, s28;
	s0 =	sadd.s32 $0x80, s0;
	v22 =	vld [tilespmem:s4+$0x70];
	v17, _, _ =	vpop (xrf2);
	v21 =	vadd.f32 v21, v10;
	v10 =	vmul.f32 v23, v27  }
0x13f: {  	_ = 	snop  }
0x140: {  	(xrf2) =	vadd.scan.msk.f32 $0xffff, v18  }
0x141: {  	(xrf2) =	vadd.scan.msk.f32 $0xffff, v20;
	_ =	sdelay $0x3  }
0x142: {  	v44, _, _ =	vpop (xrf2)  }
0x143: {  	v18 =	vbroadcast v44, $0xF;
	v45, _, _ =	vpop (xrf2)  }
0x144: {  	(xrf2) =	vadd.scan.msk.f32 $0xffff, v15;
	v16 =	vmul.f32 v16, v22;
	v46, _, _ =	vpop (xrf2)  }
0x145: {  	v18 =	vnsel vm1, $0x0, v18;
	v15 =	vbroadcast v46, $0xF  }
0x146: {  	v18 =	vadd.f32 $0.0e+00, v18;
	(xrf2) =	vadd.scan.msk.f32 $0xffff, v16  }
0x147: {  	v47 =	vbroadcast v17, $0xF;
	v48, _, _ =	vpop (xrf2);
	v15 =	vnsel vm2, $0x0, v15  }
0x148: {  	v49, _, _ =	vpop (xrf2);
	v15 =	vadd.f32 v15, v18  }
0x149: {  	v16 =	vnsel vm3, $0x0, v47;
	v18 =	vbroadcast v49, $0xF  }
0x14a: {  	v15 =	vadd.f32 v16, v15  }
0x14b: {  	v50 =	vbroadcast v48, $0xF;
	v51 =	vnsel vm4, $0x0, v18  }
0x14c: {  	v15 =	vadd.f32 v51, v15  }
0x14d: {  	v52 =	vbroadcast v45, $0xF;
	v16 =	vnsel vm5, $0x0, v50  }
0x14e: {  	v53, _, _ =	vpop (xrf2);
	v15 =	vadd.f32 v16, v15  }
0x14f: {  	v54 =	vnsel vm6, $0x0, v52;
	v55 =	vbroadcast v53, $0xF  }
0x150: {  	s0 =	sadd.s32 $0x10, s31;
	v56, _, _ =	vpop (xrf2);
	v15 =	vadd.f32 v54, v15  }
0x151: {  	v57 =	vld [tilespmem:s0+$0x0];
	v17 =	vnsel vm7, $0x0, v55;
	v18 =	vbroadcast v56, $0xF  }
0x152: {  	v19 =	vadd.f32 v19, v21;
	v15 =	vadd.f32 v17, v15  }
0x153: {  	v58 =	vnsel vm8, $0x0, v18  }
0x154: {  	v13 =	vadd.f32 v19, v13;
	v15 =	vadd.f32 v58, v15;
	_ =	sdelay $0x1  }
0x155: {  	v13 =	vmul.f32 $1.442695020e+00, v13;
	v15 =	vadd.f32 v15, v57;
	_ =	sdelay $0x1  }
0x156: {  	(erf) = vpow2.f32 v13;
	v59 =	vmul.f32 $1.442695020e+00, v15;
	_ =	sdelay $0x1  }
0x157: {  	(erf) = vpow2.f32 v59;
	_ =	sdelay $0x4  }
0x158: {  	v60 =	vld [tilespmem:s1+$0x400];
	_ =	sdelay $0x1  }
0x159: {  	v61 =	vld [tilespmem:s4+$0x400];
	v15 =	vpop (erf)  }
0x15a: {  	v62 =	vbroadcast v15, $0x0  }
0x15b: {  	v18 =	vpop (erf)  }
0x15c: {  	v13 =	vmul.f32 v62, v60;
	v63 =	vbroadcast v18, $0x0  }
0x15d: {  	s2 =	sadd.s32 $0x80, s30  }
0x15e: {  	[tilespmem:s2+$0xFFFFFFC0] =	vst v13;
	v20 =	vmul.f32 v63, v61  }
0x15f: {  	s9 =	sadd.s32 $0x80, s2;
	v21 =	vld [tilespmem:s1+$0x410]  }
0x160: {  	[tilespmem:s9+$0xFFFFFFC0] =	vst v20  }
0x161: {  	v13 =	vld [tilespmem:s4+$0x410]  }
0x162: {  	v11 =	vmul.f32 v11, v14;
	v22 =	vbroadcast v15, $0x1;
	_ =	sdelay $0x1  }
0x163: {  	[tilespmem:s30+$0xFFFFFFD0] =	vst v11;
	v23 =	vbroadcast v18, $0x1;
	v11 =	vmul.f32 v22, v21  }
0x164: {  	v24 =	vld [tilespmem:s8+$0x420]  }
0x165: {  	[tilespmem:s2+$0xFFFFFFD0] =	vst v11;
	v11 =	vmul.f32 v23, v13  }
0x166: {  	v25 =	vld [tilespmem:s1+$0x420]  }
0x167: {  	v26 =	vbroadcast v9, $0x2;
	[tilespmem:s9+$0xFFFFFFD0] =	vst v11  }
0x168: {  	v11 =	vld [tilespmem:s4+$0x420]  }
0x169: {  	v14 =	vmul.f32 v26, v24;
	v27 =	vbroadcast v15, $0x2;
	_ =	sdelay $0x1  }
0x16a: {  	[tilespmem:s29+$0xFFFFFFE0] =	vst v14;
	v28 =	vbroadcast v18, $0x2;
	v13 =	vmul.f32 v27, v25  }
0x16b: {  	v29 =	vld [tilespmem:s8+$0x430]  }
0x16c: {  	[tilespmem:s2+$0xFFFFFFE0] =	vst v13;
	v11 =	vmul.f32 v28, v11  }
0x16d: {  	v13 =	vld [tilespmem:s1+$0x430]  }
0x16e: {  	v30 =	vbroadcast v9, $0x3;
	[tilespmem:s9+$0xFFFFFFE0] =	vst v11  }
0x16f: {  	v11 =	vld [tilespmem:s4+$0x430]  }
0x170: {  	v14 =	vmul.f32 v30, v29;
	v31 =	vbroadcast v15, $0x3;
	_ =	sdelay $0x1  }
0x171: {  	[tilespmem:s29+$0xFFFFFFF0] =	vst v14;
	v32 =	vbroadcast v18, $0x3;
	v13 =	vmul.f32 v31, v13  }
0x172: {  	v33 =	vld [tilespmem:s8+$0x440]  }
0x173: {  	v34 =	vbroadcast v8, $0x4;
	[tilespmem:s2+$0xFFFFFFF0] =	vst v13;
	v11 =	vmul.f32 v32, v11  }
0x174: {  	v13 =	vld [tilespmem:s1+$0x440]  }
0x175: {  	v35 =	vbroadcast v9, $0x4;
	v12 =	vmul.f32 v34, v12;
	[tilespmem:s9+$0xFFFFFFF0] =	vst v11  }
0x176: {  	v11 =	vld [tilespmem:s4+$0x440]  }
0x177: {  	[tilespmem:s3+$0x0] =	vst v12;
	v36 =	vmul.f32 v35, v33;
	v37 =	vbroadcast v15, $0x4  }
0x178: {  	v38 =	vld [tilespmem:s16+$0x450]  }
0x179: {  	[tilespmem:s29+$0x0] =	vst v36;
	v40 =	vbroadcast v18, $0x4;
	v39 =	vmul.f32 v37, v13  }
0x17a: {  	v41 =	vld [tilespmem:s8+$0x450]  }
0x17b: {  	v42 =	vbroadcast v8, $0x5;
	[tilespmem:s2+$0x0] =	vst v39;
	v11 =	vmul.f32 v40, v11  }
0x17c: {  	v12 =	vld [tilespmem:s1+$0x450]  }
0x17d: {  	v44 =	vbroadcast v9, $0x5;
	v43 =	vmul.f32 v38, v42;
	[tilespmem:s9+$0x0] =	vst v11  }
0x17e: {  	v11 =	vld [tilespmem:s4+$0x450]  }
0x17f: {  	[tilespmem:s3+$0x10] =	vst v43;
	v46 =	vbroadcast v15, $0x5;
	v45 =	vmul.f32 v41, v44  }
0x180: {  	v47 =	vld [tilespmem:s16+$0x460]  }
0x181: {  	[tilespmem:s29+$0x10] =	vst v45;
	v48 =	vbroadcast v18, $0x5;
	v12 =	vmul.f32 v12, v46  }
0x182: {  	v49 =	vld [tilespmem:s8+$0x460]  }
0x183: {  	v50 =	vbroadcast v8, $0x6;
	[tilespmem:s2+$0x10] =	vst v12;
	v11 =	vmul.f32 v11, v48  }
0x184: {  	[tilespmem:s5+$0x20] =	vst v10;
	v10 =	vld [tilespmem:s1+$0x460]  }
0x185: {  	v53 =	vbroadcast v9, $0x6;
	v51 =	vld [tilespmem:s21+$0x470];
	v52 =	vmul.f32 v47, v50;
	[tilespmem:s9+$0x10] =	vst v11  }
0x186: {  	v11 =	vld [tilespmem:s4+$0x460]  }
0x187: {  	[tilespmem:s3+$0x20] =	vst v52;
	v55 =	vbroadcast v15, $0x6;
	v54 =	vmul.f32 v49, v53  }
0x188: {  	v56 =	vbroadcast v7, $0x7;
	v57 =	vld [tilespmem:s16+$0x470]  }
0x189: {  	v58 =	vbroadcast v18, $0x6;
	[tilespmem:s29+$0x20] =	vst v54;
	v10 =	vmul.f32 v10, v55  }
0x18a: {  	v59 =	vld [tilespmem:s8+$0x470];
	v12 =	vmul.f32 v51, v56  }
0x18b: {  	v60 =	vbroadcast v8, $0x7;
	[tilespmem:s2+$0x20] =	vst v10;
	v10 =	vmul.f32 v11, v58  }
0x18c: {  	[tilespmem:s5+$0x30] =	vst v12;
	v11 =	vld [tilespmem:s1+$0x470]  }
0x18d: {  	v62 =	vbroadcast v9, $0x7;
	v61 =	vmul.f32 v57, v60;
	[tilespmem:s9+$0x20] =	vst v10  }
0x18e: {  	[tilespmem:s26+$0x0] =	vst v7;
	v7 =	vld [tilespmem:s4+$0x470]  }
0x18f: {  	v63 =	vbroadcast v15, $0x7;
	[tilespmem:s3+$0x30] =	vst v61;
	v10 =	vmul.f32 v59, v62  }
0x190: {  	s10 =	smul.u32 $0x50, s20;
	[tilespmem:s28+$0x0] =	vst v8  }
0x191: {  	s13 =	sadd.s32 $0x10, s28;
	[tilespmem:s29+$0x30] =	vst v10;
	v10 =	vbroadcast v18, $0x7;
	v8 =	vmul.f32 v11, v63  }
0x192: {  	s1 =	sadd.s32 s7, s10;
	[tilespmem:s13+$0x0] =	vst v9  }
0x193: {  	s3 =	sadd.s32 $0x10, s13;
	p0 =	slt.s32 s1, $0x4E160;
	[tilespmem:s2+$0x30] =	vst v8;
	v7 =	vmul.f32 v7, v10  }
0x194: {  	s1 =	simm.s32 @!p0 $0x4E160;
	[tilespmem:s3+$0x0] =	vst v15  }
0x195: {  	s16 =	sadd.s32 $0x10, s3;
	s17 =	sshll.u32 s1, $0x1;
	[tilespmem:s9+$0x30] =	vst v7  }
0x196: {  	s21 =	simm.s32 $0x0;
	s0 =	sadd.s32 s17, s18;
	[tilespmem:s16+$0x0] =	vst v18  }
0x197: {  	[tilespmem:s24], [sflag:$0x3] =	stream.linear.gather [hbm4b:s0+s21], $0x500, $0x38;
	[tilespmem:$0x1FF00] =	vst v63  }
0x198: {  	s26 =	rddreg [dreg:$0x2];
	s0 =	simm.s32 $0x7800  }
0x199: {  	[spmem:s26] =	stream.indirect.scatter.add.f32 [tilespmem:s0], [sflag:$0x4], $0x80, s12, s11, $0xb8;
	[tilespmem:$0x1FF00] =	vst v63  }
0x19a: {  	_ =	swait.ge [sflag:s23], $0x2800  }
0x19b: {  	[sflag:s23] =	ssyncset.done $0x0  }
0x19c: {  	s28 =	sand.u32 $0x70, s21;
	[sflag:s23] =	ssyncadd.s32 $0xFFFFD800  }
0x19d: {  	v7 =	vld [tilespmem:s28+$0xA080];
	_ =	sdelay $0x1  }
0x19e: {  	s29 =	simm.s32 $0x1  }
0x19f: {  	s30 =	sand.u32 $0x70, s29  }
0x1a0: {  	v8 =	vmov s21;
	v9 =	vld [tilespmem:s30+$0xA080]  }
0x1a1: {  	v8 =	vperm.xlane v7, v8;
	_ =	sdelay $0x1  }
0x1a2: {  	(v2sf) =	vpush v8, $0x0  }
0x1a3: {  	v7 =	vmov s29  }
0x1a4: {  	v7 =	vperm.xlane v9, v7;
	_ =	sdelay $0x1  }
0x1a5: {  	(v2sf) =	vpush v7, $0x0;
	_ =	sdelay $0x3  }
0x1a6: {  	s2 =	simm.s32 $0x2  }
0x1a7: {  	s31 =	sand.u32 $0x70, s2  }
0x1a8: {  	s1 =	simm.s32 $0xA600;
	s3 =	simm.s32 $0x3;
	v9 =	vld [tilespmem:s31+$0xA080]  }
.LBB2_11:
0x1a9: {  	p0 =	sne.s32 s3, $0x4F;
	v10 =	vld [tilespmem:s1+$0x0];
	[tilespmem:s0+$0x0] =	vst v0  }
0x1aa: {  	[tilespmem:s0+$0x10] =	vst v0  }
0x1ab: {  	v11 =	vshll.u32 v8, $0x3;
	v8 =	vmov v7;
	[tilespmem:s0+$0x20] =	vst v0  }
0x1ac: {  	v7 =	vmov s2;
	s2 =	smov.u32 s3;
	v12 =	vand.u32 $0x8, v11;
	[tilespmem:s0+$0x30] =	vst v0  }
.Ltmp4:
0x1ad: {  	v7 =	vperm.xlane v9, v7;
	v9 =	vsub.s32 v1, v11;
	v11 =	vadd.s32 $0x8, v12;
	[tilespmem:s0+$0x40] =	vst v0;
	s4 =	spop (v2sf);
	(pc) =	sbr.rel @p0 .LBB2_11-.Ltmp4, $4  }
0x1ae: {  	vm9 =	vlt.u32 v12, v6;
	vm10 =	vgt.u32 v11, v1;
	v9 =	vperm.xlane v10, v9;
	[tilespmem:s0+$0x50] =	vst v0;
	s4 =	sshll.u32 s4, $0x3  }
0x1af: {  	vm9 =	vmand vm9, vm10;
	[tilespmem:s0+$0x60] =	vst v0;
	s4 =	sand.u32 $0x70, s4  }
0x1b0: {  	s5 =	sand.u32 $0x70, s3;
	(v2sf) =	vpush v7, $0x0;
	v10 =	vnsel vm9, $0x0, v9;
	[tilespmem:s0+$0x70] =	vst v0;
	s4 =	sadd.s32 s4, s0  }
0x1b1: {  	s3 =	sadd.s32 $0x1, s3;
	s1 =	sadd.s32 $0x10, s1;
	s0 =	sadd.s32 $0x80, s0;
	v9 =	vld [tilespmem:s5+$0xA080];
	[tilespmem:s4+$0x0] =	vst v10  }
0x1b2: {  	v10 =	vld [tilespmem:s1+$0x0];
	[tilespmem:s0+$0x0] =	vst v0  }
0x1b3: {  	[tilespmem:s0+$0x10] =	vst v0  }
0x1b4: {  	v8 =	vshll.u32 v8, $0x3;
	[tilespmem:s0+$0x20] =	vst v0  }
0x1b5: {  	v11 =	vmov s2;
	[tilespmem:s0+$0x30] =	vst v0;
	v12 =	vand.u32 $0x8, v8  }
0x1b6: {  	[tilespmem:s0+$0x40] =	vst v0;
	s17 =	spop (v2sf);
	v8 =	vsub.s32 v1, v8;
	v60 =	vadd.s32 $0x8, v12;
	vm9 =	vlt.u32 v12, v6  }
0x1b7: {  	[tilespmem:s0+$0x50] =	vst v0;
	s2 =	sshll.u32 s17, $0x3;
	vm10 =	vgt.u32 v60, v1;
	v9 =	vperm.xlane v9, v11;
	v8 =	vperm.xlane v10, v8  }
0x1b8: {  	[tilespmem:s0+$0x60] =	vst v0;
	s2 =	sand.u32 $0x70, s2;
	vm9 =	vmand vm9, vm10  }
0x1b9: {  	[tilespmem:s0+$0x70] =	vst v0;
	s2 =	sadd.s32 s2, s0;
	(v2sf) =	vpush v9, $0x0;
	v8 =	vnsel vm9, $0x0, v8  }
0x1ba: {  	s21 =	sadd.s32 $0x10, s1;
	s26 =	sadd.s32 $0x80, s0;
	[tilespmem:s2+$0x0] =	vst v8  }
0x1bb: {  	v8 =	vld [tilespmem:s21+$0x0];
	[tilespmem:s26+$0x0] =	vst v0  }
0x1bc: {  	[tilespmem:s26+$0x10] =	vst v0  }
0x1bd: {  	v7 =	vshll.u32 v7, $0x3;
	[tilespmem:s26+$0x20] =	vst v0  }
0x1be: {  	v61 =	vand.u32 $0x8, v7;
	[tilespmem:s26+$0x30] =	vst v0  }
0x1bf: {  	v7 =	vsub.s32 v1, v7;
	v62 =	vadd.s32 $0x8, v61;
	[tilespmem:s26+$0x40] =	vst v0;
	s28 =	spop (v2sf)  }
0x1c0: {  	vm10 =	vgt.u32 v62, v1;
	vm9 =	vlt.u32 v61, v6;
	[tilespmem:s26+$0x50] =	vst v0;
	v7 =	vperm.xlane v8, v7;
	s2 =	sshll.u32 s28, $0x3  }
0x1c1: {  	vm9 =	vmand vm9, vm10;
	[tilespmem:s26+$0x60] =	vst v0;
	s2 =	sand.u32 $0x70, s2  }
0x1c2: {  	[tilespmem:s26+$0x70] =	vst v0;
	v7 =	vnsel vm9, $0x0, v7;
	s2 =	sadd.s32 s2, s26  }
0x1c3: {  	s1 =	sadd.s32 $0x10, s21;
	s0 =	sadd.s32 $0x80, s26;
	[tilespmem:s2+$0x0] =	vst v7  }
0x1c4: {  	v7 =	vld [tilespmem:s1+$0x0];
	[tilespmem:s0+$0x0] =	vst v0  }
0x1c5: {  	[tilespmem:s0+$0x10] =	vst v0  }
0x1c6: {  	v8 =	vshll.u32 v9, $0x3;
	[tilespmem:s0+$0x20] =	vst v0  }
0x1c7: {  	v9 =	vand.u32 $0x8, v8;
	[tilespmem:s0+$0x30] =	vst v0  }
0x1c8: {  	v8 =	vsub.s32 v1, v8;
	v63 =	vadd.s32 $0x8, v9;
	[tilespmem:s0+$0x40] =	vst v0;
	s29 =	spop (v2sf)  }
0x1c9: {  	vm9 =	vlt.u32 v9, v6;
	vm10 =	vgt.u32 v63, v1;
	[tilespmem:s0+$0x50] =	vst v0;
	v7 =	vperm.xlane v7, v8;
	s1 =	sshll.u32 s29, $0x3  }
0x1ca: {  	s20 =	sadd.s32 $0x1, s20;
	vm9 =	vmand vm9, vm10;
	[tilespmem:s0+$0x60] =	vst v0;
	s1 =	sand.u32 $0x70, s1  }
0x1cb: {  	p0 =	sne.s32 s20, $0x7D;
	[tilespmem:s0+$0x70] =	vst v0;
	v7 =	vnsel vm9, $0x0, v7;
	s0 =	sadd.s32 s1, s0  }
.Ltmp5:
0x1cc: {  	s30 =	rddreg [dreg:$0x3];
	s31 =	simm.s32 $0xA000;
	[tilespmem:s0+$0x0] =	vst v7;
	(pc) =	sbr.rel @p0 .LBB2_4-.Ltmp5, $4  }
0x1cd: {  	[spmem:s30] =	stream.indirect.scatter.add.f32 [tilespmem:s22], [sflag:$0x4], $0x80, s31, s11, $0xb8;
	[tilespmem:$0x1FF00] =	vst v63  }
0x1ce: {  	_ =	swait.ge [sflag:s23], $0x2800  }
0x1cf: {  	[sflag:s23] =	ssyncset.done $0x0  }
0x1d0: {  	[sflag:s23] =	ssyncadd.s32 $0xFFFFD800  }
0x1d1: {  	_ =	swait.ge [sflag:s25], $0x500  }
0x1d2: {  	[sflag:s25] =	ssyncset.done $0x0  }
0x1d3: {  	[sflag:s25] =	ssyncadd.s32 $0xFFFFFB00  }
0x1d4: {  	s0 =	stileid.u32;
	[bflag:$0x0] =	sbarrier.arrive $0xFFFF  }
0x1d5: {  	s0 =	sshll.u32 s0, $0x6;
	s8 =	rddreg [dreg:$0x6]  }
0x1d6: {  	s0 =	sor.u32 $0x1C04, s0;
	s2 =	rddreg [dreg:$0x10];
	s1 =	sshrl.u32 s8, $0x3  }
0x1d7: {  	[hbm:s2], [sflag:s0] =	dma.local [spmem:s1], $0x2800  }
0x1d8: {  	_ =	swait.ge [sflag:s23], $0x2800  }
0x1d9: {  	[sflag:s23] =	ssyncset.done $0x0;
	s9 =	rddreg [dreg:$0xe]  }
0x1da: {  	s30 =	rddreg [dreg:$0x11];
	[sflag:s23] =	ssyncadd.s32 $0xFFFFD800;
	s29 =	sshrl.u32 s9, $0x3  }
0x1db: {  	[hbm:s30], [sflag:s0] =	dma.local [spmem:s29], $0x280  }
0x1dc: {  	_ =	swait.ge [sflag:s23], $0x280  }
0x1dd: {  	s13 =	rddreg [dreg:$0x5]  }
0x1de: {  	s31 =	rddreg [dreg:$0x12];
	s13 =	sadd.s32 $0x1, s13  }
0x1df: {  	p0 =	sne.s32 s13, s31  }
.Ltmp6:
0x1e0: {  	_ = 	snop;
	(pc) =	sbr.rel @p0 .LBB2_1-.Ltmp6, $3  }
0x1e1: {  	_ =	sdelay $0x1  }
0x1e2: {  	[sflag:s23] =	ssyncset.done $0x0  }
0x1e3: {  	[sflag:s23] =	ssyncadd.s32 $0xFFFFFD80  }
0x1e4: {  	_ =	sfence.sel $0x180000  }
0x1e5: {  	[bflag:$0x0] =	sbarrier.arrive $0xFFFF  }
0x1e6: {  	_ =	strace $0x90000047  }
0x1e7: {  	s0 =	stileid.u32;
	[bflag:$0x2] =	sbarrier.arrive $0xFFFF  }
0x1e8: {  	p0 =	sne.s32 s0, $0x0;
	s0 =	rddreg [dreg:$0x4]  }
0x1e9: {  	s0 =	sadd.s32 @!p0 $0x100000, s0  }
0x1ea: {  	[sflag:s0] =	ssyncadd.tile.s32 @!p0 $0x1;
	_ =	shalt  }
.Lfunc_end2:
_tile_overlayer_lowered:
.L_overlay_start_2:
0x1eb: {  	(tag) =	ssettag $0x2  }
0x1ec: {  	s0 =	rddreg [dreg:$0x0];
	s2 =	stileid.u32  }
0x1ed: {  	s1 =	rddreg [dreg:$0x1];
	p0 =	sne.s32 s2, $0x0  }
0x1ee: {  	s3 =	rddreg [dreg:$0x2];
	[bflag:$0x3] =	sbarrier.arrive $0xFFFF;
	s2 =	simm.s32 @!p0 $0x1C04  }
0x1ef: {  	[timem:s3], [sflag:s2] =	dma.local @!p0 [hbm:s0], s1  }
0x1f0: {  	s0 =	simm.s32 @!p0 $0x4  }
0x1f1: {  	_ =	swait.ge @!p0 [sflag:s0], s1  }
0x1f2: {  	s1 =	ssub.s32 @!p0 $0x0, s1;
	[sflag:s0] =	ssyncset.done @!p0 $0x0  }
0x1f3: {  	[sflag:s0] =	ssyncadd.s32 @!p0 s1  }
0x1f4: {  	[bflag:$0x3] =	sbarrier.arrive $0xFFFF  }
0x1f5: {  	_ =	shalt  }

</sc_bundles>
